<compile_context>
chip_gen: v7x
topology: tpu7x:2x2x1
jax: 0.10.2.dev20260603
libtpu: 0.0.44.dev20260713+nightly
codegen_flags: <defaults>
</compile_context>

<pallas_src>
import functools

import jax
import jax.numpy as jnp
from jax import lax
from jax.experimental import pallas as pl
from jax.experimental.pallas import tpu as pltpu
from jax.experimental.pallas import tpu_sc as plsc

B = 512
IN = 512
L1 = 512
ED = 64
D = 128
K = 1024
CC = 0.25
N = B * ED

NBLK = 8
BB = B // NBLK
FB = BB * ED

SC_CORES = 2
SC_SUBCORES = 16
NW = SC_CORES * SC_SUBCORES
ROWS_PW = N // NW
CH = 128
NCH = ROWS_PW // CH


def _enc_dist_body(x_ref, eW1_ref, eb1_ref, eW2t_ref, eb2_ref,
                   ersW1t_ref, ersb1_ref, ersW2_ref, ersb2_ref,
                   ebn_g_ref, ebn_b_ref, cb_ref, teW1_ref, teb1_ref,
                   teW2_ref, teb2_ref,
                   z_ref, idx_ref, counts_ref, sse_ref):
    relu = lambda v: jnp.maximum(v, 0.0)
    xb = x_ref[...]
    z1 = relu(jnp.dot(xb, eW1_ref[...], preferred_element_type=jnp.float32)
              + eb1_ref[...][None, :])
    z2 = relu(lax.dot_general(z1, eW2t_ref[...], (((1,), (1,)), ((), ())),
                              preferred_element_type=jnp.float32)
              + eb2_ref[...][None, :])
    h = relu(lax.dot_general(z2, ersW1t_ref[...], (((1,), (1,)), ((), ())),
                             preferred_element_type=jnp.float32)
             + ersb1_ref[...][None, :])
    h = relu(jnp.dot(h, ersW2_ref[...], preferred_element_type=jnp.float32)
             + ersb2_ref[...][None, :])
    h = (ebn_g_ref[...][None, :] * h / jnp.sqrt(1.0 + 1e-5)
         + ebn_b_ref[...][None, :])
    zb = z2 + h
    z_ref[...] = zb
    e1 = relu(zb[:, :, None] * teW1_ref[0][None, None, :]
              + teb1_ref[...][None, None, :])
    e = (jnp.dot(e1.reshape(FB, D // 2), teW2_ref[...],
                 preferred_element_type=jnp.float32)
         + teb2_ref[...][None, :])
    cb = cb_ref[...]
    fnorm = jnp.sum(e * e, axis=1, keepdims=True)
    cnorm = jnp.sum(cb * cb, axis=1)
    mm = lax.dot_general(e, cb, (((1,), (1,)), ((), ())),
                         preferred_element_type=jnp.float32)
    dist = fnorm + cnorm[None, :] - 2.0 * mm
    rowmin = jnp.min(dist, axis=1, keepdims=True)
    eq = dist == rowmin
    kiota = lax.broadcasted_iota(jnp.int32, (FB, K), 1)
    idxcol = jnp.min(jnp.where(eq, kiota, K), axis=1, keepdims=True)
    idx_ref[...] = jnp.transpose(idxcol)[None]
    cpartc = jnp.sum(eq.astype(jnp.float32), axis=0, keepdims=True)
    ssepart = jnp.sum(rowmin)
    @pl.when(pl.program_id(0) == 0)
    def _init():
        counts_ref[...] = cpartc
        sse_ref[0, 0] = ssepart
    @pl.when(pl.program_id(0) != 0)
    def _acc():
        counts_ref[...] += cpartc
        sse_ref[0, 0] += ssepart


def _stage1(x, eW1, eb1, eW2, eb2, ersW1, ersb1, ersW2, ersb2, ebn_g, ebn_b,
            codebook, teW1, teb1, teW2, teb2):
    full = lambda shape: pl.BlockSpec(shape, lambda i: (0,) * len(shape))
    return pl.pallas_call(
        _enc_dist_body,
        grid=(NBLK,),
        in_specs=[
            pl.BlockSpec((BB, IN), lambda i: (i, 0)),
            full((IN, L1)), full((L1,)), full((ED, L1)), full((ED,)),
            full((16, ED)), full((16,)), full((16, ED)), full((ED,)),
            full((ED,)), full((ED,)), full((K, D)),
            full((1, D // 2)), full((D // 2,)), full((D // 2, D)),
            full((D,)),
        ],
        out_specs=[
            pl.BlockSpec((BB, ED), lambda i: (i, 0)),
            pl.BlockSpec((1, 1, FB), lambda i: (i, 0, 0)),
            pl.BlockSpec((1, K), lambda i: (0, 0)),
            pl.BlockSpec(memory_space=pltpu.SMEM),
        ],
        out_shape=[
            jax.ShapeDtypeStruct((B, ED), jnp.float32),
            jax.ShapeDtypeStruct((NBLK, 1, FB), jnp.int32),
            jax.ShapeDtypeStruct((1, K), jnp.float32),
            jax.ShapeDtypeStruct((1, 1), jnp.float32),
        ],
        compiler_params=pltpu.CompilerParams(
            dimension_semantics=("arbitrary",)),
    )(x, eW1, eb1, jnp.transpose(eW2), eb2, jnp.transpose(ersW1),
      ersb1, ersW2, ersb2, ebn_g, ebn_b, codebook, teW1, teb1, teW2, teb2)


def _sc_gather(codebook, idx):
    mesh = plsc.VectorSubcoreMesh(core_axis_name="c", subcore_axis_name="s",
                                  num_cores=SC_CORES, num_subcores=SC_SUBCORES)
    stage = K // SC_SUBCORES

    @functools.partial(
        pl.kernel,
        out_type=jax.ShapeDtypeStruct((N, D), jnp.float32),
        mesh=mesh,
        scratch_types=[
            pltpu.VMEM((ROWS_PW,), jnp.int32),
            pltpu.VMEM((2, CH, D), jnp.float32),
            pltpu.VMEM_SHARED((K, D), jnp.float32),
            pltpu.SemaphoreType.DMA,
            pltpu.SemaphoreType.DMA,
            pltpu.SemaphoreType.DMA,
            pltpu.SemaphoreType.DMA,
        ],
    )
    def gather(cb_hbm, idx_hbm, out_hbm, idx_v, rows_v, cb_sh,
               gsem0, gsem1, osem0, osem1):
        cid = lax.axis_index("c")
        sid = lax.axis_index("s")
        wid = sid * SC_CORES + cid
        base = wid * ROWS_PW
        pltpu.sync_copy(cb_hbm.at[pl.ds(sid * stage, stage)],
                        cb_sh.at[pl.ds(sid * stage, stage)])
        pltpu.sync_copy(idx_hbm.at[pl.ds(base, ROWS_PW)], idx_v)
        plsc.subcore_barrier()
        gsems = (gsem0, gsem1)
        osems = (osem0, osem1)
        ghandles = [None, None]
        ohandles = [None, None]
        ghandles[0] = pltpu.async_copy(
            cb_sh.at[idx_v.at[pl.ds(0, CH)]], rows_v.at[0], gsems[0])
        for c in range(NCH):
            b = c % 2
            nb = (c + 1) % 2
            ghandles[b].wait()
            if c + 1 < NCH:
                if ohandles[nb] is not None:
                    ohandles[nb].wait()
                ghandles[nb] = pltpu.async_copy(
                    cb_sh.at[idx_v.at[pl.ds((c + 1) * CH, CH)]],
                    rows_v.at[nb], gsems[nb])
            ohandles[b] = pltpu.async_copy(
                rows_v.at[b], out_hbm.at[pl.ds(base + c * CH, CH)], osems[b])
        ohandles[0].wait()
        ohandles[1].wait()

    return gather(codebook, idx)


def _tail_body(q_ref, counts_ref, sse_ref, dpWt_ref, dpb_ref,
               drsW1t_ref, drsb1_ref, drsW2_ref, drsb2_ref,
               dbn_g_ref, dbn_b_ref, dl1W_ref, dl1b_ref, dl2W_ref, dl2b_ref,
               clsWt_ref, clsb_ref,
               q2_ref, xr_ref, clsT_ref, vq_ref, perp_ref):
    relu = lambda v: jnp.maximum(v, 0.0)
    m = sse_ref[0, 0] / float(N * D)
    vq_ref[0, 0] = m + CC * m
    avg = counts_ref[...] / float(N)
    perp_ref[0, 0] = jnp.exp(-jnp.sum(avg * jnp.log(avg + 1e-10)))
    q2 = q_ref[...].reshape(B, ED * D)
    q2_ref[...] = q2
    clsT_ref[...] = jax.nn.sigmoid(
        lax.dot_general(clsWt_ref[...], q2, (((1,), (1,)), ((), ())),
                        preferred_element_type=jnp.float32)
        + clsb_ref[...][:, None])
    d1 = relu(lax.dot_general(q2, dpWt_ref[...], (((1,), (1,)), ((), ())),
              preferred_element_type=jnp.float32)
              + dpb_ref[...][None, :])
    h2 = relu(lax.dot_general(d1, drsW1t_ref[...], (((1,), (1,)), ((), ())),
              preferred_element_type=jnp.float32)
              + drsb1_ref[...][None, :])
    h2 = relu(jnp.dot(h2, drsW2_ref[...], preferred_element_type=jnp.float32)
              + drsb2_ref[...][None, :])
    h2 = (dbn_g_ref[...][None, :] * h2 / jnp.sqrt(1.0 + 1e-5)
          + dbn_b_ref[...][None, :])
    dd = d1 + h2
    r1 = relu(jnp.dot(dd, dl1W_ref[...], preferred_element_type=jnp.float32)
              + dl1b_ref[...][None, :])
    xr_ref[...] = relu(jnp.dot(r1, dl2W_ref[...],
                               preferred_element_type=jnp.float32)
                       + dl2b_ref[...][None, :])


def _stage3(quant, counts, sse, dpW, dpb, drsW1, drsb1, drsW2, drsb2,
            dbn_g, dbn_b, dl1W, dl1b, dl2W, dl2b, clsW, clsb):
    return pl.pallas_call(
        _tail_body,
        out_shape=[
            jax.ShapeDtypeStruct((B, ED * D), jnp.float32),
            jax.ShapeDtypeStruct((B, IN), jnp.float32),
            jax.ShapeDtypeStruct((10, B), jnp.float32),
            jax.ShapeDtypeStruct((1, 1), jnp.float32),
            jax.ShapeDtypeStruct((1, 1), jnp.float32),
        ],
        in_specs=[pl.BlockSpec(memory_space=pltpu.VMEM)] * 2
        + [pl.BlockSpec(memory_space=pltpu.SMEM)]
        + [pl.BlockSpec(memory_space=pltpu.VMEM)] * 14,
        out_specs=[
            pl.BlockSpec(memory_space=pltpu.VMEM),
            pl.BlockSpec(memory_space=pltpu.VMEM),
            pl.BlockSpec(memory_space=pltpu.VMEM),
            pl.BlockSpec(memory_space=pltpu.SMEM),
            pl.BlockSpec(memory_space=pltpu.SMEM),
        ],
    )(quant, counts, sse, jnp.transpose(dpW), dpb, jnp.transpose(drsW1),
      drsb1, drsW2, drsb2, dbn_g, dbn_b, dl1W, dl1b, dl2W, dl2b,
      jnp.transpose(clsW), clsb)


def kernel(x, eW1, eb1, eW2, eb2, ersW1, ersb1, ersW2, ersb2, ebn_g, ebn_b,
           codebook, teW1, teb1, teW2, teb2, clsW, clsb,
           dpW, dpb, drsW1, drsb1, drsW2, drsb2, dbn_g, dbn_b,
           dl1W, dl1b, dl2W, dl2b):
    z, idx3, counts, sse = _stage1(
        x, eW1, eb1, eW2, eb2, ersW1, ersb1, ersW2, ersb2, ebn_g, ebn_b,
        codebook, teW1, teb1, teW2, teb2)
    idx = idx3.reshape(N)
    quant = _sc_gather(codebook, idx)
    q2, x_recon, clsT, vq, perp = _stage3(
        quant, counts, sse, dpW, dpb, drsW1, drsb1, drsW2, drsb2,
        dbn_g, dbn_b, dl1W, dl1b, dl2W, dl2b, clsW, clsb)
    return (vq.reshape(()), x_recon, perp.reshape(()), q2,
            jnp.transpose(clsT), z)

# --- scband reference (transcript-rebuilt; emitter-appended) ---
"""Pipeline reference for scband-selm-9887014715908 (READ-ONLY COPY).

The authoritative reference and input builder live on the scoring server;
editing this copy changes nothing except your own understanding.
"""

import jax, jax.numpy as jnp
import numpy as np

B = 512
IN = 512
L1 = 512
ED = 64
D = 128
K = 1024
CC = 0.25


def setup_inputs(seed: int = 0) -> dict:
    key = jax.random.key(seed)
    ks = jax.random.split(key, 40)

    def w(k, shape, s=0.02):
        return jax.random.normal(k, shape, jnp.float32) * s

    inp = {}
    inp['x'] = jax.random.normal(ks[0], (B, IN), jnp.float32)
    # encoder
    inp['eW1'] = w(ks[1], (IN, L1)); inp['eb1'] = jnp.zeros((L1,), jnp.float32)
    inp['eW2'] = w(ks[2], (L1, ED)); inp['eb2'] = jnp.zeros((ED,), jnp.float32)
    inp['ersW1'] = w(ks[3], (ED, 16)); inp['ersb1'] = jnp.zeros((16,), jnp.float32)
    inp['ersW2'] = w(ks[4], (16, ED)); inp['ersb2'] = jnp.zeros((ED,), jnp.float32)
    inp['ebn_g'] = jnp.ones((ED,), jnp.float32); inp['ebn_b'] = jnp.zeros((ED,), jnp.float32)
    # vector quantizer
    inp['codebook'] = jax.random.uniform(ks[5], (K, D), jnp.float32, -1.0 / K, 1.0 / K)
    inp['teW1'] = w(ks[6], (1, D // 2)); inp['teb1'] = jnp.zeros((D // 2,), jnp.float32)
    inp['teW2'] = w(ks[7], (D // 2, D)); inp['teb2'] = jnp.zeros((D,), jnp.float32)
    inp['clsW'] = w(ks[8], (D * ED, 10)); inp['clsb'] = jnp.zeros((10,), jnp.float32)
    # decoder
    inp['dpW'] = w(ks[9], (D * ED, ED)); inp['dpb'] = jnp.zeros((ED,), jnp.float32)
    inp['drsW1'] = w(ks[10], (ED, 16)); inp['drsb1'] = jnp.zeros((16,), jnp.float32)
    inp['drsW2'] = w(ks[11], (16, ED)); inp['drsb2'] = jnp.zeros((ED,), jnp.float32)
    inp['dbn_g'] = jnp.ones((ED,), jnp.float32); inp['dbn_b'] = jnp.zeros((ED,), jnp.float32)
    inp['dl1W'] = w(ks[12], (ED, L1)); inp['dl1b'] = jnp.zeros((L1,), jnp.float32)
    inp['dl2W'] = w(ks[13], (L1, IN)); inp['dl2b'] = jnp.zeros((IN,), jnp.float32)
    return inp


def reference(x, eW1, eb1, eW2, eb2, ersW1, ersb1, ersW2, ersb2, ebn_g, ebn_b,
              codebook, teW1, teb1, teW2, teb2, clsW, clsb,
              dpW, dpb, drsW1, drsb1, drsW2, drsb2, dbn_g, dbn_b,
              dl1W, dl1b, dl2W, dl2b):
    relu = jax.nn.relu
    # Encoder (dropout = identity in eval; BatchNorm1d eval with running stats 0/1)
    z = relu(x @ eW1 + eb1)
    z = relu(z @ eW2 + eb2)
    h = relu(z @ ersW1 + ersb1)
    h = relu(h @ ersW2 + ersb2)
    h = ebn_g * h / jnp.sqrt(1.0 + 1e-5) + ebn_b
    z = z + h
    # VectorQuantizer
    inp3 = z[:, :, None]                              # b (d l) -> b d l (d=1) then permute -> (B, ED, 1)
    e = relu(inp3 @ teW1 + teb1) @ teW2 + teb2        # (B, ED, D)
    flat = e.reshape(-1, D)                            # (B*ED, D)
    dist = (jnp.sum(flat ** 2, axis=1, keepdims=True)
            + jnp.sum(codebook ** 2, axis=1)
            - 2.0 * flat @ codebook.T)
    idx = jnp.argmin(dist, axis=1)
    enc = jax.nn.one_hot(idx, K, dtype=jnp.float32)
    quant = enc @ codebook                             # (B*ED, D)
    q3 = quant.reshape(B, ED, D)
    cls = jax.nn.sigmoid(q3.reshape(B, ED * D) @ clsW + clsb)
    e_latent = jnp.mean((jax.lax.stop_gradient(q3) - e) ** 2)
    q_latent = jnp.mean((q3 - jax.lax.stop_gradient(e)) ** 2)
    vq_loss = q_latent + CC * e_latent
    q_st = e + jax.lax.stop_gradient(q3 - e)
    quantized = q_st.reshape(B, ED * D)
    avg = jnp.mean(enc, axis=0)
    perplexity = jnp.exp(-jnp.sum(avg * jnp.log(avg + 1e-10)))
    # Decoder
    d = relu(quantized @ dpW + dpb)
    h2 = relu(d @ drsW1 + drsb1)
    h2 = relu(h2 @ drsW2 + drsb2)
    h2 = dbn_g * h2 / jnp.sqrt(1.0 + 1e-5) + dbn_b
    d = d + h2
    d = relu(d @ dl1W + dl1b)
    x_recon = relu(d @ dl2W + dl2b)
    return (vq_loss, x_recon, perplexity, quantized, cls, z)

if __name__ == "__main__":
    import jax
    _d = setup_inputs()
    print(jax.jit(kernel)(*tuple(_d.values())))

</pallas_src>

<mosaic_0001>
#map = affine_map<(d0, d1) -> (0, 0)>
#map1 = affine_map<(d0, d1) -> (0)>
module attributes {stable_mosaic.version = 14 : i64} {
  func.func @gather(%arg0: i32, %arg1: i32, %arg2: memref<1024x128xf32, #tpu.memory_space<hbm>>, %arg3: memref<32768xi32, #tpu.memory_space<hbm>>, %arg4: memref<32768x128xf32, #tpu.memory_space<hbm>>, %arg5: memref<1024xi32, #tpu.memory_space<vmem>>, %arg6: memref<2x128x128xf32, #tpu.memory_space<vmem>>, %arg7: memref<1024x128xf32, #tpu.memory_space<vmem_shared>>, %arg8: memref<!tpu.dma_semaphore, #tpu.memory_space<semaphore_mem>>, %arg9: memref<!tpu.dma_semaphore, #tpu.memory_space<semaphore_mem>>, %arg10: memref<!tpu.dma_semaphore, #tpu.memory_space<semaphore_mem>>, %arg11: memref<!tpu.dma_semaphore, #tpu.memory_space<semaphore_mem>>) attributes {dimension_semantics = [#tpu.dimension_semantics<core_parallel>, #tpu.dimension_semantics<subcore_parallel>], iteration_bounds = array<i64: 2, 16>, scalar_prefetch = 0 : i64, scratch_operands = 7 : i64, tpu.core_type = #tpu.core_type<sc_vector_subcore>, window_params = [{transform_indices = #map}, {transform_indices = #map1}, {transform_indices = #map}]} {
    %mul3A = arith.constant 2 : i32
    %mul3A_0 = arith.muli %arg1, %mul3A : i32
    %add3A = arith.addi %mul3A_0, %arg0 : i32
    %mul3A_1 = arith.constant 1024 : i32
    %mul3A_2 = arith.muli %add3A, %mul3A_1 : i32
    %mul3A_3 = arith.constant 64 : i32
    %mul3A_4 = arith.muli %arg1, %mul3A_3 : i32
    %mul3A_5 = arith.constant 64 : i32
    %mul3A_6 = arith.muli %arg1, %mul3A_5 : i32
    "tpu.region"() ({
      %run_scoped3A = tpu.sem_alloc : memref<!tpu.dma_semaphore, #tpu.memory_space<semaphore_mem>>
      %dma_start3A_389 = arith.constant 0 : i32
      %dma_start3A_390 = tpu.memref_slice %arg7[%mul3A_6, %dma_start3A_389] : memref<1024x128xf32, #tpu.memory_space<vmem_shared>> -> memref<64x128xf32, #tpu.memory_space<vmem_shared>>
      %dma_start3A_391 = arith.constant 0 : i32
      %dma_start3A_392 = tpu.memref_slice %arg2[%mul3A_4, %dma_start3A_391] : memref<1024x128xf32, #tpu.memory_space<hbm>> -> memref<64x128xf32, #tpu.memory_space<hbm>>
      tpu.enqueue_dma source(%dma_start3A_392 : memref<64x128xf32, #tpu.memory_space<hbm>>) target(%dma_start3A_390 : memref<64x128xf32, #tpu.memory_space<vmem_shared>>) target_semaphore(%run_scoped3A : memref<!tpu.dma_semaphore, #tpu.memory_space<semaphore_mem>>)
      %dma_wait3A_393 = arith.constant 0 : i32
      %dma_wait3A_394 = tpu.memref_slice %arg7[%mul3A_6, %dma_wait3A_393] : memref<1024x128xf32, #tpu.memory_space<vmem_shared>> -> memref<64x128xf32, #tpu.memory_space<vmem_shared>>
      %dma_wait3A_395 = arith.constant 0 : i32
      %dma_wait3A_396 = tpu.memref_slice %arg2[%mul3A_4, %dma_wait3A_395] : memref<1024x128xf32, #tpu.memory_space<hbm>> -> memref<64x128xf32, #tpu.memory_space<hbm>>
      tpu.wait_dma2 semaphore(%run_scoped3A : memref<!tpu.dma_semaphore, #tpu.memory_space<semaphore_mem>>) src(%dma_wait3A_396 : memref<64x128xf32, #tpu.memory_space<hbm>>) dst(%dma_wait3A_394 : memref<64x128xf32, #tpu.memory_space<vmem_shared>>)
      tpu.yield
    }) : () -> ()
    "tpu.region"() ({
      %run_scoped3A = tpu.sem_alloc : memref<!tpu.dma_semaphore, #tpu.memory_space<semaphore_mem>>
      %dma_start3A_389 = tpu.memref_slice %arg3[%mul3A_2] : memref<32768xi32, #tpu.memory_space<hbm>> -> memref<1024xi32, #tpu.memory_space<hbm>>
      %dma_start3A_390 = tpu.memref_slice %arg3[%mul3A_2] : memref<32768xi32, #tpu.memory_space<hbm>> -> memref<1024xi32, #tpu.memory_space<hbm>>
      tpu.enqueue_dma source(%dma_start3A_390 : memref<1024xi32, #tpu.memory_space<hbm>>) target(%arg5 : memref<1024xi32, #tpu.memory_space<vmem>>) target_semaphore(%run_scoped3A : memref<!tpu.dma_semaphore, #tpu.memory_space<semaphore_mem>>)
      %dma_wait3A_391 = tpu.memref_slice %arg3[%mul3A_2] : memref<32768xi32, #tpu.memory_space<hbm>> -> memref<1024xi32, #tpu.memory_space<hbm>>
      %dma_wait3A_392 = tpu.memref_slice %arg3[%mul3A_2] : memref<32768xi32, #tpu.memory_space<hbm>> -> memref<1024xi32, #tpu.memory_space<hbm>>
      tpu.wait_dma2 semaphore(%run_scoped3A : memref<!tpu.dma_semaphore, #tpu.memory_space<semaphore_mem>>) src(%dma_wait3A_392 : memref<1024xi32, #tpu.memory_space<hbm>>) dst(%arg5 : memref<1024xi32, #tpu.memory_space<vmem>>)
      tpu.yield
    }) : () -> ()
    %barrier3A = arith.constant 0 : index
    tpu.barrier barrier_id(%barrier3A)
    %dma_start3A = arith.constant 0 : i32
    %dma_start3A_7 = arith.constant 0 : i32
    %dma_start3A_8 = arith.constant 0 : i32
    %dma_start3A_9 = tpu.memref_slice %arg6[%dma_start3A, %dma_start3A_7, %dma_start3A_8] : memref<2x128x128xf32, #tpu.memory_space<vmem>> -> memref<1x128x128xf32, #tpu.memory_space<vmem>>
    %dma_start3A_10 = tpu.memref_squeeze %dma_start3A_9 : memref<1x128x128xf32, #tpu.memory_space<vmem>> -> memref<128x128xf32, #tpu.memory_space<vmem>>
    %dma_start3A_11 = arith.constant 0 : i32
    %dma_start3A_12 = tpu.memref_slice %arg5[%dma_start3A_11] : memref<1024xi32, #tpu.memory_space<vmem>> -> memref<128xi32, #tpu.memory_space<vmem>>
    %dma_start3A_13 = arith.constant 0 : i32
    %dma_start3A_14 = arith.constant 0 : i32
    %dma_start3A_15 = tpu.memref_slice %arg7[%dma_start3A_13, %dma_start3A_14] : memref<1024x128xf32, #tpu.memory_space<vmem_shared>> -> memref<1024x128xf32, #tpu.memory_space<vmem_shared>>
    tpu.enqueue_indirect_dma source(%dma_start3A_15 : memref<1024x128xf32, #tpu.memory_space<vmem_shared>>) target(%dma_start3A_10 : memref<128x128xf32, #tpu.memory_space<vmem>>) offsets(%dma_start3A_12 : memref<128xi32, #tpu.memory_space<vmem>>) semaphore(%arg8 : memref<!tpu.dma_semaphore, #tpu.memory_space<semaphore_mem>>)
    %dma_wait3A = arith.constant 0 : i32
    %dma_wait3A_16 = arith.constant 0 : i32
    %dma_wait3A_17 = arith.constant 0 : i32
    %dma_wait3A_18 = tpu.memref_slice %arg6[%dma_wait3A, %dma_wait3A_16, %dma_wait3A_17] : memref<2x128x128xf32, #tpu.memory_space<vmem>> -> memref<1x128x128xf32, #tpu.memory_space<vmem>>
    %dma_wait3A_19 = tpu.memref_squeeze %dma_wait3A_18 : memref<1x128x128xf32, #tpu.memory_space<vmem>> -> memref<128x128xf32, #tpu.memory_space<vmem>>
    %dma_wait3A_20 = arith.constant 0 : i32
    %dma_wait3A_21 = tpu.memref_slice %arg5[%dma_wait3A_20] : memref<1024xi32, #tpu.memory_space<vmem>> -> memref<128xi32, #tpu.memory_space<vmem>>
    %dma_wait3A_22 = arith.constant 0 : i32
    %dma_wait3A_23 = arith.constant 0 : i32
    %dma_wait3A_24 = tpu.memref_slice %arg7[%dma_wait3A_22, %dma_wait3A_23] : memref<1024x128xf32, #tpu.memory_space<vmem_shared>> -> memref<1024x128xf32, #tpu.memory_space<vmem_shared>>
    tpu.wait_indirect_dma semaphore(%arg8 : memref<!tpu.dma_semaphore, #tpu.memory_space<semaphore_mem>>) src(%dma_wait3A_24 : memref<1024x128xf32, #tpu.memory_space<vmem_shared>>) dst(%dma_wait3A_19 : memref<128x128xf32, #tpu.memory_space<vmem>>)
    %dma_start3A_25 = arith.constant 1 : i32
    %dma_start3A_26 = arith.constant 0 : i32
    %dma_start3A_27 = arith.constant 0 : i32
    %dma_start3A_28 = tpu.memref_slice %arg6[%dma_start3A_25, %dma_start3A_26, %dma_start3A_27] : memref<2x128x128xf32, #tpu.memory_space<vmem>> -> memref<1x128x128xf32, #tpu.memory_space<vmem>>
    %dma_start3A_29 = tpu.memref_squeeze %dma_start3A_28 : memref<1x128x128xf32, #tpu.memory_space<vmem>> -> memref<128x128xf32, #tpu.memory_space<vmem>>
    %dma_start3A_30 = arith.constant 128 : i32
    %dma_start3A_31 = tpu.memref_slice %arg5[%dma_start3A_30] : memref<1024xi32, #tpu.memory_space<vmem>> -> memref<128xi32, #tpu.memory_space<vmem>>
    %dma_start3A_32 = arith.constant 0 : i32
    %dma_start3A_33 = arith.constant 0 : i32
    %dma_start3A_34 = tpu.memref_slice %arg7[%dma_start3A_32, %dma_start3A_33] : memref<1024x128xf32, #tpu.memory_space<vmem_shared>> -> memref<1024x128xf32, #tpu.memory_space<vmem_shared>>
    tpu.enqueue_indirect_dma source(%dma_start3A_34 : memref<1024x128xf32, #tpu.memory_space<vmem_shared>>) target(%dma_start3A_29 : memref<128x128xf32, #tpu.memory_space<vmem>>) offsets(%dma_start3A_31 : memref<128xi32, #tpu.memory_space<vmem>>) semaphore(%arg9 : memref<!tpu.dma_semaphore, #tpu.memory_space<semaphore_mem>>)
    %add3A_35 = arith.constant 0 : i32
    %add3A_36 = arith.addi %mul3A_2, %add3A_35 : i32
    %dma_start3A_37 = arith.constant 0 : i32
    %dma_start3A_38 = arith.constant 0 : i32
    %dma_start3A_39 = arith.constant 0 : i32
    %dma_start3A_40 = tpu.memref_slice %arg6[%dma_start3A_37, %dma_start3A_38, %dma_start3A_39] : memref<2x128x128xf32, #tpu.memory_space<vmem>> -> memref<1x128x128xf32, #tpu.memory_space<vmem>>
    %dma_start3A_41 = tpu.memref_squeeze %dma_start3A_40 : memref<1x128x128xf32, #tpu.memory_space<vmem>> -> memref<128x128xf32, #tpu.memory_space<vmem>>
    %dma_start3A_42 = arith.constant 0 : i32
    %dma_start3A_43 = tpu.memref_slice %arg4[%add3A_36, %dma_start3A_42] : memref<32768x128xf32, #tpu.memory_space<hbm>> -> memref<128x128xf32, #tpu.memory_space<hbm>>
    %dma_start3A_44 = arith.constant 0 : i32
    %dma_start3A_45 = tpu.memref_slice %arg4[%add3A_36, %dma_start3A_44] : memref<32768x128xf32, #tpu.memory_space<hbm>> -> memref<128x128xf32, #tpu.memory_space<hbm>>
    %dma_start3A_46 = arith.constant 0 : i32
    %dma_start3A_47 = arith.constant 0 : i32
    %dma_start3A_48 = tpu.memref_slice %arg6[%dma_start3A_37, %dma_start3A_46, %dma_start3A_47] : memref<2x128x128xf32, #tpu.memory_space<vmem>> -> memref<1x128x128xf32, #tpu.memory_space<vmem>>
    %dma_start3A_49 = tpu.memref_squeeze %dma_start3A_48 : memref<1x128x128xf32, #tpu.memory_space<vmem>> -> memref<128x128xf32, #tpu.memory_space<vmem>>
    tpu.enqueue_dma source(%dma_start3A_49 : memref<128x128xf32, #tpu.memory_space<vmem>>) target(%dma_start3A_45 : memref<128x128xf32, #tpu.memory_space<hbm>>) target_semaphore(%arg10 : memref<!tpu.dma_semaphore, #tpu.memory_space<semaphore_mem>>)
    %dma_wait3A_50 = arith.constant 1 : i32
    %dma_wait3A_51 = arith.constant 0 : i32
    %dma_wait3A_52 = arith.constant 0 : i32
    %dma_wait3A_53 = tpu.memref_slice %arg6[%dma_wait3A_50, %dma_wait3A_51, %dma_wait3A_52] : memref<2x128x128xf32, #tpu.memory_space<vmem>> -> memref<1x128x128xf32, #tpu.memory_space<vmem>>
    %dma_wait3A_54 = tpu.memref_squeeze %dma_wait3A_53 : memref<1x128x128xf32, #tpu.memory_space<vmem>> -> memref<128x128xf32, #tpu.memory_space<vmem>>
    %dma_wait3A_55 = arith.constant 128 : i32
    %dma_wait3A_56 = tpu.memref_slice %arg5[%dma_wait3A_55] : memref<1024xi32, #tpu.memory_space<vmem>> -> memref<128xi32, #tpu.memory_space<vmem>>
    %dma_wait3A_57 = arith.constant 0 : i32
    %dma_wait3A_58 = arith.constant 0 : i32
    %dma_wait3A_59 = tpu.memref_slice %arg7[%dma_wait3A_57, %dma_wait3A_58] : memref<1024x128xf32, #tpu.memory_space<vmem_shared>> -> memref<1024x128xf32, #tpu.memory_space<vmem_shared>>
    tpu.wait_indirect_dma semaphore(%arg9 : memref<!tpu.dma_semaphore, #tpu.memory_space<semaphore_mem>>) src(%dma_wait3A_59 : memref<1024x128xf32, #tpu.memory_space<vmem_shared>>) dst(%dma_wait3A_54 : memref<128x128xf32, #tpu.memory_space<vmem>>)
    %dma_wait3A_60 = arith.constant 0 : i32
    %dma_wait3A_61 = arith.constant 0 : i32
    %dma_wait3A_62 = arith.constant 0 : i32
    %dma_wait3A_63 = tpu.memref_slice %arg6[%dma_wait3A_60, %dma_wait3A_61, %dma_wait3A_62] : memref<2x128x128xf32, #tpu.memory_space<vmem>> -> memref<1x128x128xf32, #tpu.memory_space<vmem>>
    %dma_wait3A_64 = tpu.memref_squeeze %dma_wait3A_63 : memref<1x128x128xf32, #tpu.memory_space<vmem>> -> memref<128x128xf32, #tpu.memory_space<vmem>>
    %dma_wait3A_65 = arith.constant 0 : i32
    %dma_wait3A_66 = tpu.memref_slice %arg4[%add3A_36, %dma_wait3A_65] : memref<32768x128xf32, #tpu.memory_space<hbm>> -> memref<128x128xf32, #tpu.memory_space<hbm>>
    %dma_wait3A_67 = arith.constant 0 : i32
    %dma_wait3A_68 = tpu.memref_slice %arg4[%add3A_36, %dma_wait3A_67] : memref<32768x128xf32, #tpu.memory_space<hbm>> -> memref<128x128xf32, #tpu.memory_space<hbm>>
    %dma_wait3A_69 = arith.constant 0 : i32
    %dma_wait3A_70 = arith.constant 0 : i32
    %dma_wait3A_71 = tpu.memref_slice %arg6[%dma_wait3A_60, %dma_wait3A_69, %dma_wait3A_70] : memref<2x128x128xf32, #tpu.memory_space<vmem>> -> memref<1x128x128xf32, #tpu.memory_space<vmem>>
    %dma_wait3A_72 = tpu.memref_squeeze %dma_wait3A_71 : memref<1x128x128xf32, #tpu.memory_space<vmem>> -> memref<128x128xf32, #tpu.memory_space<vmem>>
    tpu.wait_dma2 semaphore(%arg10 : memref<!tpu.dma_semaphore, #tpu.memory_space<semaphore_mem>>) src(%dma_wait3A_72 : memref<128x128xf32, #tpu.memory_space<vmem>>) dst(%dma_wait3A_68 : memref<128x128xf32, #tpu.memory_space<hbm>>)
    %dma_start3A_73 = arith.constant 0 : i32
    %dma_start3A_74 = arith.constant 0 : i32
    %dma_start3A_75 = arith.constant 0 : i32
    %dma_start3A_76 = tpu.memref_slice %arg6[%dma_start3A_73, %dma_start3A_74, %dma_start3A_75] : memref<2x128x128xf32, #tpu.memory_space<vmem>> -> memref<1x128x128xf32, #tpu.memory_space<vmem>>
    %dma_start3A_77 = tpu.memref_squeeze %dma_start3A_76 : memref<1x128x128xf32, #tpu.memory_space<vmem>> -> memref<128x128xf32, #tpu.memory_space<vmem>>
    %dma_start3A_78 = arith.constant 256 : i32
    %dma_start3A_79 = tpu.memref_slice %arg5[%dma_start3A_78] : memref<1024xi32, #tpu.memory_space<vmem>> -> memref<128xi32, #tpu.memory_space<vmem>>
    %dma_start3A_80 = arith.constant 0 : i32
    %dma_start3A_81 = arith.constant 0 : i32
    %dma_start3A_82 = tpu.memref_slice %arg7[%dma_start3A_80, %dma_start3A_81] : memref<1024x128xf32, #tpu.memory_space<vmem_shared>> -> memref<1024x128xf32, #tpu.memory_space<vmem_shared>>
    tpu.enqueue_indirect_dma source(%dma_start3A_82 : memref<1024x128xf32, #tpu.memory_space<vmem_shared>>) target(%dma_start3A_77 : memref<128x128xf32, #tpu.memory_space<vmem>>) offsets(%dma_start3A_79 : memref<128xi32, #tpu.memory_space<vmem>>) semaphore(%arg8 : memref<!tpu.dma_semaphore, #tpu.memory_space<semaphore_mem>>)
    %add3A_83 = arith.constant 128 : i32
    %add3A_84 = arith.addi %mul3A_2, %add3A_83 : i32
    %dma_start3A_85 = arith.constant 1 : i32
    %dma_start3A_86 = arith.constant 0 : i32
    %dma_start3A_87 = arith.constant 0 : i32
    %dma_start3A_88 = tpu.memref_slice %arg6[%dma_start3A_85, %dma_start3A_86, %dma_start3A_87] : memref<2x128x128xf32, #tpu.memory_space<vmem>> -> memref<1x128x128xf32, #tpu.memory_space<vmem>>
    %dma_start3A_89 = tpu.memref_squeeze %dma_start3A_88 : memref<1x128x128xf32, #tpu.memory_space<vmem>> -> memref<128x128xf32, #tpu.memory_space<vmem>>
    %dma_start3A_90 = arith.constant 0 : i32
    %dma_start3A_91 = tpu.memref_slice %arg4[%add3A_84, %dma_start3A_90] : memref<32768x128xf32, #tpu.memory_space<hbm>> -> memref<128x128xf32, #tpu.memory_space<hbm>>
    %dma_start3A_92 = arith.constant 0 : i32
    %dma_start3A_93 = tpu.memref_slice %arg4[%add3A_84, %dma_start3A_92] : memref<32768x128xf32, #tpu.memory_space<hbm>> -> memref<128x128xf32, #tpu.memory_space<hbm>>
    %dma_start3A_94 = arith.constant 0 : i32
    %dma_start3A_95 = arith.constant 0 : i32
    %dma_start3A_96 = tpu.memref_slice %arg6[%dma_start3A_85, %dma_start3A_94, %dma_start3A_95] : memref<2x128x128xf32, #tpu.memory_space<vmem>> -> memref<1x128x128xf32, #tpu.memory_space<vmem>>
    %dma_start3A_97 = tpu.memref_squeeze %dma_start3A_96 : memref<1x128x128xf32, #tpu.memory_space<vmem>> -> memref<128x128xf32, #tpu.memory_space<vmem>>
    tpu.enqueue_dma source(%dma_start3A_97 : memref<128x128xf32, #tpu.memory_space<vmem>>) target(%dma_start3A_93 : memref<128x128xf32, #tpu.memory_space<hbm>>) target_semaphore(%arg11 : memref<!tpu.dma_semaphore, #tpu.memory_space<semaphore_mem>>)
    %dma_wait3A_98 = arith.constant 0 : i32
    %dma_wait3A_99 = arith.constant 0 : i32
    %dma_wait3A_100 = arith.constant 0 : i32
    %dma_wait3A_101 = tpu.memref_slice %arg6[%dma_wait3A_98, %dma_wait3A_99, %dma_wait3A_100] : memref<2x128x128xf32, #tpu.memory_space<vmem>> -> memref<1x128x128xf32, #tpu.memory_space<vmem>>
    %dma_wait3A_102 = tpu.memref_squeeze %dma_wait3A_101 : memref<1x128x128xf32, #tpu.memory_space<vmem>> -> memref<128x128xf32, #tpu.memory_space<vmem>>
    %dma_wait3A_103 = arith.constant 256 : i32
    %dma_wait3A_104 = tpu.memref_slice %arg5[%dma_wait3A_103] : memref<1024xi32, #tpu.memory_space<vmem>> -> memref<128xi32, #tpu.memory_space<vmem>>
    %dma_wait3A_105 = arith.constant 0 : i32
    %dma_wait3A_106 = arith.constant 0 : i32
    %dma_wait3A_107 = tpu.memref_slice %arg7[%dma_wait3A_105, %dma_wait3A_106] : memref<1024x128xf32, #tpu.memory_space<vmem_shared>> -> memref<1024x128xf32, #tpu.memory_space<vmem_shared>>
    tpu.wait_indirect_dma semaphore(%arg8 : memref<!tpu.dma_semaphore, #tpu.memory_space<semaphore_mem>>) src(%dma_wait3A_107 : memref<1024x128xf32, #tpu.memory_space<vmem_shared>>) dst(%dma_wait3A_102 : memref<128x128xf32, #tpu.memory_space<vmem>>)
    %dma_wait3A_108 = arith.constant 1 : i32
    %dma_wait3A_109 = arith.constant 0 : i32
    %dma_wait3A_110 = arith.constant 0 : i32
    %dma_wait3A_111 = tpu.memref_slice %arg6[%dma_wait3A_108, %dma_wait3A_109, %dma_wait3A_110] : memref<2x128x128xf32, #tpu.memory_space<vmem>> -> memref<1x128x128xf32, #tpu.memory_space<vmem>>
    %dma_wait3A_112 = tpu.memref_squeeze %dma_wait3A_111 : memref<1x128x128xf32, #tpu.memory_space<vmem>> -> memref<128x128xf32, #tpu.memory_space<vmem>>
    %dma_wait3A_113 = arith.constant 0 : i32
    %dma_wait3A_114 = tpu.memref_slice %arg4[%add3A_84, %dma_wait3A_113] : memref<32768x128xf32, #tpu.memory_space<hbm>> -> memref<128x128xf32, #tpu.memory_space<hbm>>
    %dma_wait3A_115 = arith.constant 0 : i32
    %dma_wait3A_116 = tpu.memref_slice %arg4[%add3A_84, %dma_wait3A_115] : memref<32768x128xf32, #tpu.memory_space<hbm>> -> memref<128x128xf32, #tpu.memory_space<hbm>>
    %dma_wait3A_117 = arith.constant 0 : i32
    %dma_wait3A_118 = arith.constant 0 : i32
    %dma_wait3A_119 = tpu.memref_slice %arg6[%dma_wait3A_108, %dma_wait3A_117, %dma_wait3A_118] : memref<2x128x128xf32, #tpu.memory_space<vmem>> -> memref<1x128x128xf32, #tpu.memory_space<vmem>>
    %dma_wait3A_120 = tpu.memref_squeeze %dma_wait3A_119 : memref<1x128x128xf32, #tpu.memory_space<vmem>> -> memref<128x128xf32, #tpu.memory_space<vmem>>
    tpu.wait_dma2 semaphore(%arg11 : memref<!tpu.dma_semaphore, #tpu.memory_space<semaphore_mem>>) src(%dma_wait3A_120 : memref<128x128xf32, #tpu.memory_space<vmem>>) dst(%dma_wait3A_116 : memref<128x128xf32, #tpu.memory_space<hbm>>)
    %dma_start3A_121 = arith.constant 1 : i32
    %dma_start3A_122 = arith.constant 0 : i32
    %dma_start3A_123 = arith.constant 0 : i32
    %dma_start3A_124 = tpu.memref_slice %arg6[%dma_start3A_121, %dma_start3A_122, %dma_start3A_123] : memref<2x128x128xf32, #tpu.memory_space<vmem>> -> memref<1x128x128xf32, #tpu.memory_space<vmem>>
    %dma_start3A_125 = tpu.memref_squeeze %dma_start3A_124 : memref<1x128x128xf32, #tpu.memory_space<vmem>> -> memref<128x128xf32, #tpu.memory_space<vmem>>
    %dma_start3A_126 = arith.constant 384 : i32
    %dma_start3A_127 = tpu.memref_slice %arg5[%dma_start3A_126] : memref<1024xi32, #tpu.memory_space<vmem>> -> memref<128xi32, #tpu.memory_space<vmem>>
    %dma_start3A_128 = arith.constant 0 : i32
    %dma_start3A_129 = arith.constant 0 : i32
    %dma_start3A_130 = tpu.memref_slice %arg7[%dma_start3A_128, %dma_start3A_129] : memref<1024x128xf32, #tpu.memory_space<vmem_shared>> -> memref<1024x128xf32, #tpu.memory_space<vmem_shared>>
    tpu.enqueue_indirect_dma source(%dma_start3A_130 : memref<1024x128xf32, #tpu.memory_space<vmem_shared>>) target(%dma_start3A_125 : memref<128x128xf32, #tpu.memory_space<vmem>>) offsets(%dma_start3A_127 : memref<128xi32, #tpu.memory_space<vmem>>) semaphore(%arg9 : memref<!tpu.dma_semaphore, #tpu.memory_space<semaphore_mem>>)
    %add3A_131 = arith.constant 256 : i32
    %add3A_132 = arith.addi %mul3A_2, %add3A_131 : i32
    %dma_start3A_133 = arith.constant 0 : i32
    %dma_start3A_134 = arith.constant 0 : i32
    %dma_start3A_135 = arith.constant 0 : i32
    %dma_start3A_136 = tpu.memref_slice %arg6[%dma_start3A_133, %dma_start3A_134, %dma_start3A_135] : memref<2x128x128xf32, #tpu.memory_space<vmem>> -> memref<1x128x128xf32, #tpu.memory_space<vmem>>
    %dma_start3A_137 = tpu.memref_squeeze %dma_start3A_136 : memref<1x128x128xf32, #tpu.memory_space<vmem>> -> memref<128x128xf32, #tpu.memory_space<vmem>>
    %dma_start3A_138 = arith.constant 0 : i32
    %dma_start3A_139 = tpu.memref_slice %arg4[%add3A_132, %dma_start3A_138] : memref<32768x128xf32, #tpu.memory_space<hbm>> -> memref<128x128xf32, #tpu.memory_space<hbm>>
    %dma_start3A_140 = arith.constant 0 : i32
    %dma_start3A_141 = tpu.memref_slice %arg4[%add3A_132, %dma_start3A_140] : memref<32768x128xf32, #tpu.memory_space<hbm>> -> memref<128x128xf32, #tpu.memory_space<hbm>>
    %dma_start3A_142 = arith.constant 0 : i32
    %dma_start3A_143 = arith.constant 0 : i32
    %dma_start3A_144 = tpu.memref_slice %arg6[%dma_start3A_133, %dma_start3A_142, %dma_start3A_143] : memref<2x128x128xf32, #tpu.memory_space<vmem>> -> memref<1x128x128xf32, #tpu.memory_space<vmem>>
    %dma_start3A_145 = tpu.memref_squeeze %dma_start3A_144 : memref<1x128x128xf32, #tpu.memory_space<vmem>> -> memref<128x128xf32, #tpu.memory_space<vmem>>
    tpu.enqueue_dma source(%dma_start3A_145 : memref<128x128xf32, #tpu.memory_space<vmem>>) target(%dma_start3A_141 : memref<128x128xf32, #tpu.memory_space<hbm>>) target_semaphore(%arg10 : memref<!tpu.dma_semaphore, #tpu.memory_space<semaphore_mem>>)
    %dma_wait3A_146 = arith.constant 1 : i32
    %dma_wait3A_147 = arith.constant 0 : i32
    %dma_wait3A_148 = arith.constant 0 : i32
    %dma_wait3A_149 = tpu.memref_slice %arg6[%dma_wait3A_146, %dma_wait3A_147, %dma_wait3A_148] : memref<2x128x128xf32, #tpu.memory_space<vmem>> -> memref<1x128x128xf32, #tpu.memory_space<vmem>>
    %dma_wait3A_150 = tpu.memref_squeeze %dma_wait3A_149 : memref<1x128x128xf32, #tpu.memory_space<vmem>> -> memref<128x128xf32, #tpu.memory_space<vmem>>
    %dma_wait3A_151 = arith.constant 384 : i32
    %dma_wait3A_152 = tpu.memref_slice %arg5[%dma_wait3A_151] : memref<1024xi32, #tpu.memory_space<vmem>> -> memref<128xi32, #tpu.memory_space<vmem>>
    %dma_wait3A_153 = arith.constant 0 : i32
    %dma_wait3A_154 = arith.constant 0 : i32
    %dma_wait3A_155 = tpu.memref_slice %arg7[%dma_wait3A_153, %dma_wait3A_154] : memref<1024x128xf32, #tpu.memory_space<vmem_shared>> -> memref<1024x128xf32, #tpu.memory_space<vmem_shared>>
    tpu.wait_indirect_dma semaphore(%arg9 : memref<!tpu.dma_semaphore, #tpu.memory_space<semaphore_mem>>) src(%dma_wait3A_155 : memref<1024x128xf32, #tpu.memory_space<vmem_shared>>) dst(%dma_wait3A_150 : memref<128x128xf32, #tpu.memory_space<vmem>>)
    %dma_wait3A_156 = arith.constant 0 : i32
    %dma_wait3A_157 = arith.constant 0 : i32
    %dma_wait3A_158 = arith.constant 0 : i32
    %dma_wait3A_159 = tpu.memref_slice %arg6[%dma_wait3A_156, %dma_wait3A_157, %dma_wait3A_158] : memref<2x128x128xf32, #tpu.memory_space<vmem>> -> memref<1x128x128xf32, #tpu.memory_space<vmem>>
    %dma_wait3A_160 = tpu.memref_squeeze %dma_wait3A_159 : memref<1x128x128xf32, #tpu.memory_space<vmem>> -> memref<128x128xf32, #tpu.memory_space<vmem>>
    %dma_wait3A_161 = arith.constant 0 : i32
    %dma_wait3A_162 = tpu.memref_slice %arg4[%add3A_132, %dma_wait3A_161] : memref<32768x128xf32, #tpu.memory_space<hbm>> -> memref<128x128xf32, #tpu.memory_space<hbm>>
    %dma_wait3A_163 = arith.constant 0 : i32
    %dma_wait3A_164 = tpu.memref_slice %arg4[%add3A_132, %dma_wait3A_163] : memref<32768x128xf32, #tpu.memory_space<hbm>> -> memref<128x128xf32, #tpu.memory_space<hbm>>
    %dma_wait3A_165 = arith.constant 0 : i32
    %dma_wait3A_166 = arith.constant 0 : i32
    %dma_wait3A_167 = tpu.memref_slice %arg6[%dma_wait3A_156, %dma_wait3A_165, %dma_wait3A_166] : memref<2x128x128xf32, #tpu.memory_space<vmem>> -> memref<1x128x128xf32, #tpu.memory_space<vmem>>
    %dma_wait3A_168 = tpu.memref_squeeze %dma_wait3A_167 : memref<1x128x128xf32, #tpu.memory_space<vmem>> -> memref<128x128xf32, #tpu.memory_space<vmem>>
    tpu.wait_dma2 semaphore(%arg10 : memref<!tpu.dma_semaphore, #tpu.memory_space<semaphore_mem>>) src(%dma_wait3A_168 : memref<128x128xf32, #tpu.memory_space<vmem>>) dst(%dma_wait3A_164 : memref<128x128xf32, #tpu.memory_space<hbm>>)
    %dma_start3A_169 = arith.constant 0 : i32
    %dma_start3A_170 = arith.constant 0 : i32
    %dma_start3A_171 = arith.constant 0 : i32
    %dma_start3A_172 = tpu.memref_slice %arg6[%dma_start3A_169, %dma_start3A_170, %dma_start3A_171] : memref<2x128x128xf32, #tpu.memory_space<vmem>> -> memref<1x128x128xf32, #tpu.memory_space<vmem>>
    %dma_start3A_173 = tpu.memref_squeeze %dma_start3A_172 : memref<1x128x128xf32, #tpu.memory_space<vmem>> -> memref<128x128xf32, #tpu.memory_space<vmem>>
    %dma_start3A_174 = arith.constant 512 : i32
    %dma_start3A_175 = tpu.memref_slice %arg5[%dma_start3A_174] : memref<1024xi32, #tpu.memory_space<vmem>> -> memref<128xi32, #tpu.memory_space<vmem>>
    %dma_start3A_176 = arith.constant 0 : i32
    %dma_start3A_177 = arith.constant 0 : i32
    %dma_start3A_178 = tpu.memref_slice %arg7[%dma_start3A_176, %dma_start3A_177] : memref<1024x128xf32, #tpu.memory_space<vmem_shared>> -> memref<1024x128xf32, #tpu.memory_space<vmem_shared>>
    tpu.enqueue_indirect_dma source(%dma_start3A_178 : memref<1024x128xf32, #tpu.memory_space<vmem_shared>>) target(%dma_start3A_173 : memref<128x128xf32, #tpu.memory_space<vmem>>) offsets(%dma_start3A_175 : memref<128xi32, #tpu.memory_space<vmem>>) semaphore(%arg8 : memref<!tpu.dma_semaphore, #tpu.memory_space<semaphore_mem>>)
    %add3A_179 = arith.constant 384 : i32
    %add3A_180 = arith.addi %mul3A_2, %add3A_179 : i32
    %dma_start3A_181 = arith.constant 1 : i32
    %dma_start3A_182 = arith.constant 0 : i32
    %dma_start3A_183 = arith.constant 0 : i32
    %dma_start3A_184 = tpu.memref_slice %arg6[%dma_start3A_181, %dma_start3A_182, %dma_start3A_183] : memref<2x128x128xf32, #tpu.memory_space<vmem>> -> memref<1x128x128xf32, #tpu.memory_space<vmem>>
    %dma_start3A_185 = tpu.memref_squeeze %dma_start3A_184 : memref<1x128x128xf32, #tpu.memory_space<vmem>> -> memref<128x128xf32, #tpu.memory_space<vmem>>
    %dma_start3A_186 = arith.constant 0 : i32
    %dma_start3A_187 = tpu.memref_slice %arg4[%add3A_180, %dma_start3A_186] : memref<32768x128xf32, #tpu.memory_space<hbm>> -> memref<128x128xf32, #tpu.memory_space<hbm>>
    %dma_start3A_188 = arith.constant 0 : i32
    %dma_start3A_189 = tpu.memref_slice %arg4[%add3A_180, %dma_start3A_188] : memref<32768x128xf32, #tpu.memory_space<hbm>> -> memref<128x128xf32, #tpu.memory_space<hbm>>
    %dma_start3A_190 = arith.constant 0 : i32
    %dma_start3A_191 = arith.constant 0 : i32
    %dma_start3A_192 = tpu.memref_slice %arg6[%dma_start3A_181, %dma_start3A_190, %dma_start3A_191] : memref<2x128x128xf32, #tpu.memory_space<vmem>> -> memref<1x128x128xf32, #tpu.memory_space<vmem>>
    %dma_start3A_193 = tpu.memref_squeeze %dma_start3A_192 : memref<1x128x128xf32, #tpu.memory_space<vmem>> -> memref<128x128xf32, #tpu.memory_space<vmem>>
    tpu.enqueue_dma source(%dma_start3A_193 : memref<128x128xf32, #tpu.memory_space<vmem>>) target(%dma_start3A_189 : memref<128x128xf32, #tpu.memory_space<hbm>>) target_semaphore(%arg11 : memref<!tpu.dma_semaphore, #tpu.memory_space<semaphore_mem>>)
    %dma_wait3A_194 = arith.constant 0 : i32
    %dma_wait3A_195 = arith.constant 0 : i32
    %dma_wait3A_196 = arith.constant 0 : i32
    %dma_wait3A_197 = tpu.memref_slice %arg6[%dma_wait3A_194, %dma_wait3A_195, %dma_wait3A_196] : memref<2x128x128xf32, #tpu.memory_space<vmem>> -> memref<1x128x128xf32, #tpu.memory_space<vmem>>
    %dma_wait3A_198 = tpu.memref_squeeze %dma_wait3A_197 : memref<1x128x128xf32, #tpu.memory_space<vmem>> -> memref<128x128xf32, #tpu.memory_space<vmem>>
    %dma_wait3A_199 = arith.constant 512 : i32
    %dma_wait3A_200 = tpu.memref_slice %arg5[%dma_wait3A_199] : memref<1024xi32, #tpu.memory_space<vmem>> -> memref<128xi32, #tpu.memory_space<vmem>>
    %dma_wait3A_201 = arith.constant 0 : i32
    %dma_wait3A_202 = arith.constant 0 : i32
    %dma_wait3A_203 = tpu.memref_slice %arg7[%dma_wait3A_201, %dma_wait3A_202] : memref<1024x128xf32, #tpu.memory_space<vmem_shared>> -> memref<1024x128xf32, #tpu.memory_space<vmem_shared>>
    tpu.wait_indirect_dma semaphore(%arg8 : memref<!tpu.dma_semaphore, #tpu.memory_space<semaphore_mem>>) src(%dma_wait3A_203 : memref<1024x128xf32, #tpu.memory_space<vmem_shared>>) dst(%dma_wait3A_198 : memref<128x128xf32, #tpu.memory_space<vmem>>)
    %dma_wait3A_204 = arith.constant 1 : i32
    %dma_wait3A_205 = arith.constant 0 : i32
    %dma_wait3A_206 = arith.constant 0 : i32
    %dma_wait3A_207 = tpu.memref_slice %arg6[%dma_wait3A_204, %dma_wait3A_205, %dma_wait3A_206] : memref<2x128x128xf32, #tpu.memory_space<vmem>> -> memref<1x128x128xf32, #tpu.memory_space<vmem>>
    %dma_wait3A_208 = tpu.memref_squeeze %dma_wait3A_207 : memref<1x128x128xf32, #tpu.memory_space<vmem>> -> memref<128x128xf32, #tpu.memory_space<vmem>>
    %dma_wait3A_209 = arith.constant 0 : i32
    %dma_wait3A_210 = tpu.memref_slice %arg4[%add3A_180, %dma_wait3A_209] : memref<32768x128xf32, #tpu.memory_space<hbm>> -> memref<128x128xf32, #tpu.memory_space<hbm>>
    %dma_wait3A_211 = arith.constant 0 : i32
    %dma_wait3A_212 = tpu.memref_slice %arg4[%add3A_180, %dma_wait3A_211] : memref<32768x128xf32, #tpu.memory_space<hbm>> -> memref<128x128xf32, #tpu.memory_space<hbm>>
    %dma_wait3A_213 = arith.constant 0 : i32
    %dma_wait3A_214 = arith.constant 0 : i32
    %dma_wait3A_215 = tpu.memref_slice %arg6[%dma_wait3A_204, %dma_wait3A_213, %dma_wait3A_214] : memref<2x128x128xf32, #tpu.memory_space<vmem>> -> memref<1x128x128xf32, #tpu.memory_space<vmem>>
    %dma_wait3A_216 = tpu.memref_squeeze %dma_wait3A_215 : memref<1x128x128xf32, #tpu.memory_space<vmem>> -> memref<128x128xf32, #tpu.memory_space<vmem>>
    tpu.wait_dma2 semaphore(%arg11 : memref<!tpu.dma_semaphore, #tpu.memory_space<semaphore_mem>>) src(%dma_wait3A_216 : memref<128x128xf32, #tpu.memory_space<vmem>>) dst(%dma_wait3A_212 : memref<128x128xf32, #tpu.memory_space<hbm>>)
    %dma_start3A_217 = arith.constant 1 : i32
    %dma_start3A_218 = arith.constant 0 : i32
    %dma_start3A_219 = arith.constant 0 : i32
    %dma_start3A_220 = tpu.memref_slice %arg6[%dma_start3A_217, %dma_start3A_218, %dma_start3A_219] : memref<2x128x128xf32, #tpu.memory_space<vmem>> -> memref<1x128x128xf32, #tpu.memory_space<vmem>>
    %dma_start3A_221 = tpu.memref_squeeze %dma_start3A_220 : memref<1x128x128xf32, #tpu.memory_space<vmem>> -> memref<128x128xf32, #tpu.memory_space<vmem>>
    %dma_start3A_222 = arith.constant 640 : i32
    %dma_start3A_223 = tpu.memref_slice %arg5[%dma_start3A_222] : memref<1024xi32, #tpu.memory_space<vmem>> -> memref<128xi32, #tpu.memory_space<vmem>>
    %dma_start3A_224 = arith.constant 0 : i32
    %dma_start3A_225 = arith.constant 0 : i32
    %dma_start3A_226 = tpu.memref_slice %arg7[%dma_start3A_224, %dma_start3A_225] : memref<1024x128xf32, #tpu.memory_space<vmem_shared>> -> memref<1024x128xf32, #tpu.memory_space<vmem_shared>>
    tpu.enqueue_indirect_dma source(%dma_start3A_226 : memref<1024x128xf32, #tpu.memory_space<vmem_shared>>) target(%dma_start3A_221 : memref<128x128xf32, #tpu.memory_space<vmem>>) offsets(%dma_start3A_223 : memref<128xi32, #tpu.memory_space<vmem>>) semaphore(%arg9 : memref<!tpu.dma_semaphore, #tpu.memory_space<semaphore_mem>>)
    %add3A_227 = arith.constant 512 : i32
    %add3A_228 = arith.addi %mul3A_2, %add3A_227 : i32
    %dma_start3A_229 = arith.constant 0 : i32
    %dma_start3A_230 = arith.constant 0 : i32
    %dma_start3A_231 = arith.constant 0 : i32
    %dma_start3A_232 = tpu.memref_slice %arg6[%dma_start3A_229, %dma_start3A_230, %dma_start3A_231] : memref<2x128x128xf32, #tpu.memory_space<vmem>> -> memref<1x128x128xf32, #tpu.memory_space<vmem>>
    %dma_start3A_233 = tpu.memref_squeeze %dma_start3A_232 : memref<1x128x128xf32, #tpu.memory_space<vmem>> -> memref<128x128xf32, #tpu.memory_space<vmem>>
    %dma_start3A_234 = arith.constant 0 : i32
    %dma_start3A_235 = tpu.memref_slice %arg4[%add3A_228, %dma_start3A_234] : memref<32768x128xf32, #tpu.memory_space<hbm>> -> memref<128x128xf32, #tpu.memory_space<hbm>>
    %dma_start3A_236 = arith.constant 0 : i32
    %dma_start3A_237 = tpu.memref_slice %arg4[%add3A_228, %dma_start3A_236] : memref<32768x128xf32, #tpu.memory_space<hbm>> -> memref<128x128xf32, #tpu.memory_space<hbm>>
    %dma_start3A_238 = arith.constant 0 : i32
    %dma_start3A_239 = arith.constant 0 : i32
    %dma_start3A_240 = tpu.memref_slice %arg6[%dma_start3A_229, %dma_start3A_238, %dma_start3A_239] : memref<2x128x128xf32, #tpu.memory_space<vmem>> -> memref<1x128x128xf32, #tpu.memory_space<vmem>>
    %dma_start3A_241 = tpu.memref_squeeze %dma_start3A_240 : memref<1x128x128xf32, #tpu.memory_space<vmem>> -> memref<128x128xf32, #tpu.memory_space<vmem>>
    tpu.enqueue_dma source(%dma_start3A_241 : memref<128x128xf32, #tpu.memory_space<vmem>>) target(%dma_start3A_237 : memref<128x128xf32, #tpu.memory_space<hbm>>) target_semaphore(%arg10 : memref<!tpu.dma_semaphore, #tpu.memory_space<semaphore_mem>>)
    %dma_wait3A_242 = arith.constant 1 : i32
    %dma_wait3A_243 = arith.constant 0 : i32
    %dma_wait3A_244 = arith.constant 0 : i32
    %dma_wait3A_245 = tpu.memref_slice %arg6[%dma_wait3A_242, %dma_wait3A_243, %dma_wait3A_244] : memref<2x128x128xf32, #tpu.memory_space<vmem>> -> memref<1x128x128xf32, #tpu.memory_space<vmem>>
    %dma_wait3A_246 = tpu.memref_squeeze %dma_wait3A_245 : memref<1x128x128xf32, #tpu.memory_space<vmem>> -> memref<128x128xf32, #tpu.memory_space<vmem>>
    %dma_wait3A_247 = arith.constant 640 : i32
    %dma_wait3A_248 = tpu.memref_slice %arg5[%dma_wait3A_247] : memref<1024xi32, #tpu.memory_space<vmem>> -> memref<128xi32, #tpu.memory_space<vmem>>
    %dma_wait3A_249 = arith.constant 0 : i32
    %dma_wait3A_250 = arith.constant 0 : i32
    %dma_wait3A_251 = tpu.memref_slice %arg7[%dma_wait3A_249, %dma_wait3A_250] : memref<1024x128xf32, #tpu.memory_space<vmem_shared>> -> memref<1024x128xf32, #tpu.memory_space<vmem_shared>>
    tpu.wait_indirect_dma semaphore(%arg9 : memref<!tpu.dma_semaphore, #tpu.memory_space<semaphore_mem>>) src(%dma_wait3A_251 : memref<1024x128xf32, #tpu.memory_space<vmem_shared>>) dst(%dma_wait3A_246 : memref<128x128xf32, #tpu.memory_space<vmem>>)
    %dma_wait3A_252 = arith.constant 0 : i32
    %dma_wait3A_253 = arith.constant 0 : i32
    %dma_wait3A_254 = arith.constant 0 : i32
    %dma_wait3A_255 = tpu.memref_slice %arg6[%dma_wait3A_252, %dma_wait3A_253, %dma_wait3A_254] : memref<2x128x128xf32, #tpu.memory_space<vmem>> -> memref<1x128x128xf32, #tpu.memory_space<vmem>>
    %dma_wait3A_256 = tpu.memref_squeeze %dma_wait3A_255 : memref<1x128x128xf32, #tpu.memory_space<vmem>> -> memref<128x128xf32, #tpu.memory_space<vmem>>
    %dma_wait3A_257 = arith.constant 0 : i32
    %dma_wait3A_258 = tpu.memref_slice %arg4[%add3A_228, %dma_wait3A_257] : memref<32768x128xf32, #tpu.memory_space<hbm>> -> memref<128x128xf32, #tpu.memory_space<hbm>>
    %dma_wait3A_259 = arith.constant 0 : i32
    %dma_wait3A_260 = tpu.memref_slice %arg4[%add3A_228, %dma_wait3A_259] : memref<32768x128xf32, #tpu.memory_space<hbm>> -> memref<128x128xf32, #tpu.memory_space<hbm>>
    %dma_wait3A_261 = arith.constant 0 : i32
    %dma_wait3A_262 = arith.constant 0 : i32
    %dma_wait3A_263 = tpu.memref_slice %arg6[%dma_wait3A_252, %dma_wait3A_261, %dma_wait3A_262] : memref<2x128x128xf32, #tpu.memory_space<vmem>> -> memref<1x128x128xf32, #tpu.memory_space<vmem>>
    %dma_wait3A_264 = tpu.memref_squeeze %dma_wait3A_263 : memref<1x128x128xf32, #tpu.memory_space<vmem>> -> memref<128x128xf32, #tpu.memory_space<vmem>>
    tpu.wait_dma2 semaphore(%arg10 : memref<!tpu.dma_semaphore, #tpu.memory_space<semaphore_mem>>) src(%dma_wait3A_264 : memref<128x128xf32, #tpu.memory_space<vmem>>) dst(%dma_wait3A_260 : memref<128x128xf32, #tpu.memory_space<hbm>>)
    %dma_start3A_265 = arith.constant 0 : i32
    %dma_start3A_266 = arith.constant 0 : i32
    %dma_start3A_267 = arith.constant 0 : i32
    %dma_start3A_268 = tpu.memref_slice %arg6[%dma_start3A_265, %dma_start3A_266, %dma_start3A_267] : memref<2x128x128xf32, #tpu.memory_space<vmem>> -> memref<1x128x128xf32, #tpu.memory_space<vmem>>
    %dma_start3A_269 = tpu.memref_squeeze %dma_start3A_268 : memref<1x128x128xf32, #tpu.memory_space<vmem>> -> memref<128x128xf32, #tpu.memory_space<vmem>>
    %dma_start3A_270 = arith.constant 768 : i32
    %dma_start3A_271 = tpu.memref_slice %arg5[%dma_start3A_270] : memref<1024xi32, #tpu.memory_space<vmem>> -> memref<128xi32, #tpu.memory_space<vmem>>
    %dma_start3A_272 = arith.constant 0 : i32
    %dma_start3A_273 = arith.constant 0 : i32
    %dma_start3A_274 = tpu.memref_slice %arg7[%dma_start3A_272, %dma_start3A_273] : memref<1024x128xf32, #tpu.memory_space<vmem_shared>> -> memref<1024x128xf32, #tpu.memory_space<vmem_shared>>
    tpu.enqueue_indirect_dma source(%dma_start3A_274 : memref<1024x128xf32, #tpu.memory_space<vmem_shared>>) target(%dma_start3A_269 : memref<128x128xf32, #tpu.memory_space<vmem>>) offsets(%dma_start3A_271 : memref<128xi32, #tpu.memory_space<vmem>>) semaphore(%arg8 : memref<!tpu.dma_semaphore, #tpu.memory_space<semaphore_mem>>)
    %add3A_275 = arith.constant 640 : i32
    %add3A_276 = arith.addi %mul3A_2, %add3A_275 : i32
    %dma_start3A_277 = arith.constant 1 : i32
    %dma_start3A_278 = arith.constant 0 : i32
    %dma_start3A_279 = arith.constant 0 : i32
    %dma_start3A_280 = tpu.memref_slice %arg6[%dma_start3A_277, %dma_start3A_278, %dma_start3A_279] : memref<2x128x128xf32, #tpu.memory_space<vmem>> -> memref<1x128x128xf32, #tpu.memory_space<vmem>>
    %dma_start3A_281 = tpu.memref_squeeze %dma_start3A_280 : memref<1x128x128xf32, #tpu.memory_space<vmem>> -> memref<128x128xf32, #tpu.memory_space<vmem>>
    %dma_start3A_282 = arith.constant 0 : i32
    %dma_start3A_283 = tpu.memref_slice %arg4[%add3A_276, %dma_start3A_282] : memref<32768x128xf32, #tpu.memory_space<hbm>> -> memref<128x128xf32, #tpu.memory_space<hbm>>
    %dma_start3A_284 = arith.constant 0 : i32
    %dma_start3A_285 = tpu.memref_slice %arg4[%add3A_276, %dma_start3A_284] : memref<32768x128xf32, #tpu.memory_space<hbm>> -> memref<128x128xf32, #tpu.memory_space<hbm>>
    %dma_start3A_286 = arith.constant 0 : i32
    %dma_start3A_287 = arith.constant 0 : i32
    %dma_start3A_288 = tpu.memref_slice %arg6[%dma_start3A_277, %dma_start3A_286, %dma_start3A_287] : memref<2x128x128xf32, #tpu.memory_space<vmem>> -> memref<1x128x128xf32, #tpu.memory_space<vmem>>
    %dma_start3A_289 = tpu.memref_squeeze %dma_start3A_288 : memref<1x128x128xf32, #tpu.memory_space<vmem>> -> memref<128x128xf32, #tpu.memory_space<vmem>>
    tpu.enqueue_dma source(%dma_start3A_289 : memref<128x128xf32, #tpu.memory_space<vmem>>) target(%dma_start3A_285 : memref<128x128xf32, #tpu.memory_space<hbm>>) target_semaphore(%arg11 : memref<!tpu.dma_semaphore, #tpu.memory_space<semaphore_mem>>)
    %dma_wait3A_290 = arith.constant 0 : i32
    %dma_wait3A_291 = arith.constant 0 : i32
    %dma_wait3A_292 = arith.constant 0 : i32
    %dma_wait3A_293 = tpu.memref_slice %arg6[%dma_wait3A_290, %dma_wait3A_291, %dma_wait3A_292] : memref<2x128x128xf32, #tpu.memory_space<vmem>> -> memref<1x128x128xf32, #tpu.memory_space<vmem>>
    %dma_wait3A_294 = tpu.memref_squeeze %dma_wait3A_293 : memref<1x128x128xf32, #tpu.memory_space<vmem>> -> memref<128x128xf32, #tpu.memory_space<vmem>>
    %dma_wait3A_295 = arith.constant 768 : i32
    %dma_wait3A_296 = tpu.memref_slice %arg5[%dma_wait3A_295] : memref<1024xi32, #tpu.memory_space<vmem>> -> memref<128xi32, #tpu.memory_space<vmem>>
    %dma_wait3A_297 = arith.constant 0 : i32
    %dma_wait3A_298 = arith.constant 0 : i32
    %dma_wait3A_299 = tpu.memref_slice %arg7[%dma_wait3A_297, %dma_wait3A_298] : memref<1024x128xf32, #tpu.memory_space<vmem_shared>> -> memref<1024x128xf32, #tpu.memory_space<vmem_shared>>
    tpu.wait_indirect_dma semaphore(%arg8 : memref<!tpu.dma_semaphore, #tpu.memory_space<semaphore_mem>>) src(%dma_wait3A_299 : memref<1024x128xf32, #tpu.memory_space<vmem_shared>>) dst(%dma_wait3A_294 : memref<128x128xf32, #tpu.memory_space<vmem>>)
    %dma_wait3A_300 = arith.constant 1 : i32
    %dma_wait3A_301 = arith.constant 0 : i32
    %dma_wait3A_302 = arith.constant 0 : i32
    %dma_wait3A_303 = tpu.memref_slice %arg6[%dma_wait3A_300, %dma_wait3A_301, %dma_wait3A_302] : memref<2x128x128xf32, #tpu.memory_space<vmem>> -> memref<1x128x128xf32, #tpu.memory_space<vmem>>
    %dma_wait3A_304 = tpu.memref_squeeze %dma_wait3A_303 : memref<1x128x128xf32, #tpu.memory_space<vmem>> -> memref<128x128xf32, #tpu.memory_space<vmem>>
    %dma_wait3A_305 = arith.constant 0 : i32
    %dma_wait3A_306 = tpu.memref_slice %arg4[%add3A_276, %dma_wait3A_305] : memref<32768x128xf32, #tpu.memory_space<hbm>> -> memref<128x128xf32, #tpu.memory_space<hbm>>
    %dma_wait3A_307 = arith.constant 0 : i32
    %dma_wait3A_308 = tpu.memref_slice %arg4[%add3A_276, %dma_wait3A_307] : memref<32768x128xf32, #tpu.memory_space<hbm>> -> memref<128x128xf32, #tpu.memory_space<hbm>>
    %dma_wait3A_309 = arith.constant 0 : i32
    %dma_wait3A_310 = arith.constant 0 : i32
    %dma_wait3A_311 = tpu.memref_slice %arg6[%dma_wait3A_300, %dma_wait3A_309, %dma_wait3A_310] : memref<2x128x128xf32, #tpu.memory_space<vmem>> -> memref<1x128x128xf32, #tpu.memory_space<vmem>>
    %dma_wait3A_312 = tpu.memref_squeeze %dma_wait3A_311 : memref<1x128x128xf32, #tpu.memory_space<vmem>> -> memref<128x128xf32, #tpu.memory_space<vmem>>
    tpu.wait_dma2 semaphore(%arg11 : memref<!tpu.dma_semaphore, #tpu.memory_space<semaphore_mem>>) src(%dma_wait3A_312 : memref<128x128xf32, #tpu.memory_space<vmem>>) dst(%dma_wait3A_308 : memref<128x128xf32, #tpu.memory_space<hbm>>)
    %dma_start3A_313 = arith.constant 1 : i32
    %dma_start3A_314 = arith.constant 0 : i32
    %dma_start3A_315 = arith.constant 0 : i32
    %dma_start3A_316 = tpu.memref_slice %arg6[%dma_start3A_313, %dma_start3A_314, %dma_start3A_315] : memref<2x128x128xf32, #tpu.memory_space<vmem>> -> memref<1x128x128xf32, #tpu.memory_space<vmem>>
    %dma_start3A_317 = tpu.memref_squeeze %dma_start3A_316 : memref<1x128x128xf32, #tpu.memory_space<vmem>> -> memref<128x128xf32, #tpu.memory_space<vmem>>
    %dma_start3A_318 = arith.constant 896 : i32
    %dma_start3A_319 = tpu.memref_slice %arg5[%dma_start3A_318] : memref<1024xi32, #tpu.memory_space<vmem>> -> memref<128xi32, #tpu.memory_space<vmem>>
    %dma_start3A_320 = arith.constant 0 : i32
    %dma_start3A_321 = arith.constant 0 : i32
    %dma_start3A_322 = tpu.memref_slice %arg7[%dma_start3A_320, %dma_start3A_321] : memref<1024x128xf32, #tpu.memory_space<vmem_shared>> -> memref<1024x128xf32, #tpu.memory_space<vmem_shared>>
    tpu.enqueue_indirect_dma source(%dma_start3A_322 : memref<1024x128xf32, #tpu.memory_space<vmem_shared>>) target(%dma_start3A_317 : memref<128x128xf32, #tpu.memory_space<vmem>>) offsets(%dma_start3A_319 : memref<128xi32, #tpu.memory_space<vmem>>) semaphore(%arg9 : memref<!tpu.dma_semaphore, #tpu.memory_space<semaphore_mem>>)
    %add3A_323 = arith.constant 768 : i32
    %add3A_324 = arith.addi %mul3A_2, %add3A_323 : i32
    %dma_start3A_325 = arith.constant 0 : i32
    %dma_start3A_326 = arith.constant 0 : i32
    %dma_start3A_327 = arith.constant 0 : i32
    %dma_start3A_328 = tpu.memref_slice %arg6[%dma_start3A_325, %dma_start3A_326, %dma_start3A_327] : memref<2x128x128xf32, #tpu.memory_space<vmem>> -> memref<1x128x128xf32, #tpu.memory_space<vmem>>
    %dma_start3A_329 = tpu.memref_squeeze %dma_start3A_328 : memref<1x128x128xf32, #tpu.memory_space<vmem>> -> memref<128x128xf32, #tpu.memory_space<vmem>>
    %dma_start3A_330 = arith.constant 0 : i32
    %dma_start3A_331 = tpu.memref_slice %arg4[%add3A_324, %dma_start3A_330] : memref<32768x128xf32, #tpu.memory_space<hbm>> -> memref<128x128xf32, #tpu.memory_space<hbm>>
    %dma_start3A_332 = arith.constant 0 : i32
    %dma_start3A_333 = tpu.memref_slice %arg4[%add3A_324, %dma_start3A_332] : memref<32768x128xf32, #tpu.memory_space<hbm>> -> memref<128x128xf32, #tpu.memory_space<hbm>>
    %dma_start3A_334 = arith.constant 0 : i32
    %dma_start3A_335 = arith.constant 0 : i32
    %dma_start3A_336 = tpu.memref_slice %arg6[%dma_start3A_325, %dma_start3A_334, %dma_start3A_335] : memref<2x128x128xf32, #tpu.memory_space<vmem>> -> memref<1x128x128xf32, #tpu.memory_space<vmem>>
    %dma_start3A_337 = tpu.memref_squeeze %dma_start3A_336 : memref<1x128x128xf32, #tpu.memory_space<vmem>> -> memref<128x128xf32, #tpu.memory_space<vmem>>
    tpu.enqueue_dma source(%dma_start3A_337 : memref<128x128xf32, #tpu.memory_space<vmem>>) target(%dma_start3A_333 : memref<128x128xf32, #tpu.memory_space<hbm>>) target_semaphore(%arg10 : memref<!tpu.dma_semaphore, #tpu.memory_space<semaphore_mem>>)
    %dma_wait3A_338 = arith.constant 1 : i32
    %dma_wait3A_339 = arith.constant 0 : i32
    %dma_wait3A_340 = arith.constant 0 : i32
    %dma_wait3A_341 = tpu.memref_slice %arg6[%dma_wait3A_338, %dma_wait3A_339, %dma_wait3A_340] : memref<2x128x128xf32, #tpu.memory_space<vmem>> -> memref<1x128x128xf32, #tpu.memory_space<vmem>>
    %dma_wait3A_342 = tpu.memref_squeeze %dma_wait3A_341 : memref<1x128x128xf32, #tpu.memory_space<vmem>> -> memref<128x128xf32, #tpu.memory_space<vmem>>
    %dma_wait3A_343 = arith.constant 896 : i32
    %dma_wait3A_344 = tpu.memref_slice %arg5[%dma_wait3A_343] : memref<1024xi32, #tpu.memory_space<vmem>> -> memref<128xi32, #tpu.memory_space<vmem>>
    %dma_wait3A_345 = arith.constant 0 : i32
    %dma_wait3A_346 = arith.constant 0 : i32
    %dma_wait3A_347 = tpu.memref_slice %arg7[%dma_wait3A_345, %dma_wait3A_346] : memref<1024x128xf32, #tpu.memory_space<vmem_shared>> -> memref<1024x128xf32, #tpu.memory_space<vmem_shared>>
    tpu.wait_indirect_dma semaphore(%arg9 : memref<!tpu.dma_semaphore, #tpu.memory_space<semaphore_mem>>) src(%dma_wait3A_347 : memref<1024x128xf32, #tpu.memory_space<vmem_shared>>) dst(%dma_wait3A_342 : memref<128x128xf32, #tpu.memory_space<vmem>>)
    %add3A_348 = arith.constant 896 : i32
    %add3A_349 = arith.addi %mul3A_2, %add3A_348 : i32
    %dma_start3A_350 = arith.constant 1 : i32
    %dma_start3A_351 = arith.constant 0 : i32
    %dma_start3A_352 = arith.constant 0 : i32
    %dma_start3A_353 = tpu.memref_slice %arg6[%dma_start3A_350, %dma_start3A_351, %dma_start3A_352] : memref<2x128x128xf32, #tpu.memory_space<vmem>> -> memref<1x128x128xf32, #tpu.memory_space<vmem>>
    %dma_start3A_354 = tpu.memref_squeeze %dma_start3A_353 : memref<1x128x128xf32, #tpu.memory_space<vmem>> -> memref<128x128xf32, #tpu.memory_space<vmem>>
    %dma_start3A_355 = arith.constant 0 : i32
    %dma_start3A_356 = tpu.memref_slice %arg4[%add3A_349, %dma_start3A_355] : memref<32768x128xf32, #tpu.memory_space<hbm>> -> memref<128x128xf32, #tpu.memory_space<hbm>>
    %dma_start3A_357 = arith.constant 0 : i32
    %dma_start3A_358 = tpu.memref_slice %arg4[%add3A_349, %dma_start3A_357] : memref<32768x128xf32, #tpu.memory_space<hbm>> -> memref<128x128xf32, #tpu.memory_space<hbm>>
    %dma_start3A_359 = arith.constant 0 : i32
    %dma_start3A_360 = arith.constant 0 : i32
    %dma_start3A_361 = tpu.memref_slice %arg6[%dma_start3A_350, %dma_start3A_359, %dma_start3A_360] : memref<2x128x128xf32, #tpu.memory_space<vmem>> -> memref<1x128x128xf32, #tpu.memory_space<vmem>>
    %dma_start3A_362 = tpu.memref_squeeze %dma_start3A_361 : memref<1x128x128xf32, #tpu.memory_space<vmem>> -> memref<128x128xf32, #tpu.memory_space<vmem>>
    tpu.enqueue_dma source(%dma_start3A_362 : memref<128x128xf32, #tpu.memory_space<vmem>>) target(%dma_start3A_358 : memref<128x128xf32, #tpu.memory_space<hbm>>) target_semaphore(%arg11 : memref<!tpu.dma_semaphore, #tpu.memory_space<semaphore_mem>>)
    %dma_wait3A_363 = arith.constant 0 : i32
    %dma_wait3A_364 = arith.constant 0 : i32
    %dma_wait3A_365 = arith.constant 0 : i32
    %dma_wait3A_366 = tpu.memref_slice %arg6[%dma_wait3A_363, %dma_wait3A_364, %dma_wait3A_365] : memref<2x128x128xf32, #tpu.memory_space<vmem>> -> memref<1x128x128xf32, #tpu.memory_space<vmem>>
    %dma_wait3A_367 = tpu.memref_squeeze %dma_wait3A_366 : memref<1x128x128xf32, #tpu.memory_space<vmem>> -> memref<128x128xf32, #tpu.memory_space<vmem>>
    %dma_wait3A_368 = arith.constant 0 : i32
    %dma_wait3A_369 = tpu.memref_slice %arg4[%add3A_324, %dma_wait3A_368] : memref<32768x128xf32, #tpu.memory_space<hbm>> -> memref<128x128xf32, #tpu.memory_space<hbm>>
    %dma_wait3A_370 = arith.constant 0 : i32
    %dma_wait3A_371 = tpu.memref_slice %arg4[%add3A_324, %dma_wait3A_370] : memref<32768x128xf32, #tpu.memory_space<hbm>> -> memref<128x128xf32, #tpu.memory_space<hbm>>
    %dma_wait3A_372 = arith.constant 0 : i32
    %dma_wait3A_373 = arith.constant 0 : i32
    %dma_wait3A_374 = tpu.memref_slice %arg6[%dma_wait3A_363, %dma_wait3A_372, %dma_wait3A_373] : memref<2x128x128xf32, #tpu.memory_space<vmem>> -> memref<1x128x128xf32, #tpu.memory_space<vmem>>
    %dma_wait3A_375 = tpu.memref_squeeze %dma_wait3A_374 : memref<1x128x128xf32, #tpu.memory_space<vmem>> -> memref<128x128xf32, #tpu.memory_space<vmem>>
    tpu.wait_dma2 semaphore(%arg10 : memref<!tpu.dma_semaphore, #tpu.memory_space<semaphore_mem>>) src(%dma_wait3A_375 : memref<128x128xf32, #tpu.memory_space<vmem>>) dst(%dma_wait3A_371 : memref<128x128xf32, #tpu.memory_space<hbm>>)
    %dma_wait3A_376 = arith.constant 1 : i32
    %dma_wait3A_377 = arith.constant 0 : i32
    %dma_wait3A_378 = arith.constant 0 : i32
    %dma_wait3A_379 = tpu.memref_slice %arg6[%dma_wait3A_376, %dma_wait3A_377, %dma_wait3A_378] : memref<2x128x128xf32, #tpu.memory_space<vmem>> -> memref<1x128x128xf32, #tpu.memory_space<vmem>>
    %dma_wait3A_380 = tpu.memref_squeeze %dma_wait3A_379 : memref<1x128x128xf32, #tpu.memory_space<vmem>> -> memref<128x128xf32, #tpu.memory_space<vmem>>
    %dma_wait3A_381 = arith.constant 0 : i32
    %dma_wait3A_382 = tpu.memref_slice %arg4[%add3A_349, %dma_wait3A_381] : memref<32768x128xf32, #tpu.memory_space<hbm>> -> memref<128x128xf32, #tpu.memory_space<hbm>>
    %dma_wait3A_383 = arith.constant 0 : i32
    %dma_wait3A_384 = tpu.memref_slice %arg4[%add3A_349, %dma_wait3A_383] : memref<32768x128xf32, #tpu.memory_space<hbm>> -> memref<128x128xf32, #tpu.memory_space<hbm>>
    %dma_wait3A_385 = arith.constant 0 : i32
    %dma_wait3A_386 = arith.constant 0 : i32
    %dma_wait3A_387 = tpu.memref_slice %arg6[%dma_wait3A_376, %dma_wait3A_385, %dma_wait3A_386] : memref<2x128x128xf32, #tpu.memory_space<vmem>> -> memref<1x128x128xf32, #tpu.memory_space<vmem>>
    %dma_wait3A_388 = tpu.memref_squeeze %dma_wait3A_387 : memref<1x128x128xf32, #tpu.memory_space<vmem>> -> memref<128x128xf32, #tpu.memory_space<vmem>>
    tpu.wait_dma2 semaphore(%arg11 : memref<!tpu.dma_semaphore, #tpu.memory_space<semaphore_mem>>) src(%dma_wait3A_388 : memref<128x128xf32, #tpu.memory_space<vmem>>) dst(%dma_wait3A_384 : memref<128x128xf32, #tpu.memory_space<hbm>>)
    return
  }
}

module attributes {stable_mosaic.version = 14 : i64} {
  func.func @_enc_dist_body(%arg0: i32, %arg1: memref<64x512xf32, #tpu.memory_space<vmem>>, %arg2: memref<512x512xf32, #tpu.memory_space<vmem>>, %arg3: memref<512xf32, #tpu.memory_space<vmem>>, %arg4: memref<64x512xf32, #tpu.memory_space<vmem>>, %arg5: memref<64xf32, #tpu.memory_space<vmem>>, %arg6: memref<16x64xf32, #tpu.memory_space<vmem>>, %arg7: memref<16xf32, #tpu.memory_space<vmem>>, %arg8: memref<16x64xf32, #tpu.memory_space<vmem>>, %arg9: memref<64xf32, #tpu.memory_space<vmem>>, %arg10: memref<64xf32, #tpu.memory_space<vmem>>, %arg11: memref<64xf32, #tpu.memory_space<vmem>>, %arg12: memref<1024x128xf32, #tpu.memory_space<vmem>>, %arg13: memref<1x64xf32, #tpu.memory_space<vmem>>, %arg14: memref<64xf32, #tpu.memory_space<vmem>>, %arg15: memref<64x128xf32, #tpu.memory_space<vmem>>, %arg16: memref<128xf32, #tpu.memory_space<vmem>>, %arg17: memref<64x64xf32, #tpu.memory_space<vmem>>, %arg18: memref<1x1x4096xi32, #tpu.memory_space<vmem>>, %arg19: memref<1x1024xf32, #tpu.memory_space<vmem>>, %arg20: memref<1x1xf32, #tpu.memory_space<smem>>) attributes {dimension_semantics = [#tpu.dimension_semantics<arbitrary>], iteration_bounds = array<i64: 8>, scalar_prefetch = 0 : i64, scratch_operands = 0 : i64, tpu.core_type = #tpu.core_type<tc>, window_params = [{transform_indices = @transform_0, window_bounds = array<i64: 64, 512>}, {pipeline_mode = #tpu.pipeline_mode<synchronous>, transform_indices = @transform_1, window_bounds = array<i64: 512, 512>}, {pipeline_mode = #tpu.pipeline_mode<synchronous>, transform_indices = @transform_2, window_bounds = array<i64: 512>}, {pipeline_mode = #tpu.pipeline_mode<synchronous>, transform_indices = @transform_3, window_bounds = array<i64: 64, 512>}, {pipeline_mode = #tpu.pipeline_mode<synchronous>, transform_indices = @transform_4, window_bounds = array<i64: 64>}, {pipeline_mode = #tpu.pipeline_mode<synchronous>, transform_indices = @transform_5, window_bounds = array<i64: 16, 64>}, {pipeline_mode = #tpu.pipeline_mode<synchronous>, transform_indices = @transform_6, window_bounds = array<i64: 16>}, {pipeline_mode = #tpu.pipeline_mode<synchronous>, transform_indices = @transform_7, window_bounds = array<i64: 16, 64>}, {pipeline_mode = #tpu.pipeline_mode<synchronous>, transform_indices = @transform_8, window_bounds = array<i64: 64>}, {pipeline_mode = #tpu.pipeline_mode<synchronous>, transform_indices = @transform_9, window_bounds = array<i64: 64>}, {pipeline_mode = #tpu.pipeline_mode<synchronous>, transform_indices = @transform_10, window_bounds = array<i64: 64>}, {pipeline_mode = #tpu.pipeline_mode<synchronous>, transform_indices = @transform_11, window_bounds = array<i64: 1024, 128>}, {pipeline_mode = #tpu.pipeline_mode<synchronous>, transform_indices = @transform_12, window_bounds = array<i64: 1, 64>}, {pipeline_mode = #tpu.pipeline_mode<synchronous>, transform_indices = @transform_13, window_bounds = array<i64: 64>}, {pipeline_mode = #tpu.pipeline_mode<synchronous>, transform_indices = @transform_14, window_bounds = array<i64: 64, 128>}, {pipeline_mode = #tpu.pipeline_mode<synchronous>, transform_indices = @transform_15, window_bounds = array<i64: 128>}, {transform_indices = @transform_16, window_bounds = array<i64: 64, 64>}, {transform_indices = @transform_17, window_bounds = array<i64: 1, 1, 4096>}, {pipeline_mode = #tpu.pipeline_mode<synchronous>, transform_indices = @transform_18, window_bounds = array<i64: 1, 1024>}, {transform_indices = @transform_19, window_bounds = array<i64: 1, 1>}]} {
    %get3A = arith.constant 0 : index
    %get3A_0 = arith.constant 0 : index
    %get3A_1 = vector.load %arg1[%get3A, %get3A_0] : memref<64x512xf32, #tpu.memory_space<vmem>>, vector<64x512xf32>
    %get3A_2 = arith.constant 0 : index
    %get3A_3 = arith.constant 0 : index
    %get3A_4 = vector.load %arg2[%get3A_2, %get3A_3] : memref<512x512xf32, #tpu.memory_space<vmem>>, vector<512x512xf32>
    %dot_general3A = arith.constant dense<0.000000e+00> : vector<64x512xf32>
    %dot_general3A_5 = tpu.matmul %get3A_1, %get3A_4, %dot_general3A {dimension_numbers = #tpu.dot_dimension_numbers<[1], [0], [0], [1], [0, 0, 1, 1], [], []>, transpose_lhs_hint = false} : vector<64x512xf32>, vector<512x512xf32>, vector<64x512xf32> -> vector<64x512xf32>
    %get3A_6 = arith.constant 0 : index
    %get3A_7 = vector.load %arg3[%get3A_6] : memref<512xf32, #tpu.memory_space<vmem>>, vector<512xf32>
    %broadcast_in_dim3A = vector.shape_cast %get3A_7 : vector<512xf32> to vector<1x512xf32>
    %add3A = vector.broadcast %broadcast_in_dim3A : vector<1x512xf32> to vector<64x512xf32>
    %add3A_8 = arith.addf %dot_general3A_5, %add3A : vector<64x512xf32>
    %max3A = arith.constant 0.000000e+00 : f32
    %max3A_9 = vector.broadcast %max3A : f32 to vector<64x512xf32>
    %max3A_10 = arith.maximumf %add3A_8, %max3A_9 : vector<64x512xf32>
    %get3A_11 = arith.constant 0 : index
    %get3A_12 = arith.constant 0 : index
    %get3A_13 = vector.load %arg4[%get3A_11, %get3A_12] : memref<64x512xf32, #tpu.memory_space<vmem>>, vector<64x512xf32>
    %dot_general3A_14 = arith.constant dense<0.000000e+00> : vector<64x64xf32>
    %dot_general3A_15 = tpu.matmul %max3A_10, %get3A_13, %dot_general3A_14 {dimension_numbers = #tpu.dot_dimension_numbers<[1], [1], [0], [0], [0, 0, 1, 0], [], []>, transpose_lhs_hint = false} : vector<64x512xf32>, vector<64x512xf32>, vector<64x64xf32> -> vector<64x64xf32>
    %get3A_16 = arith.constant 0 : index
    %get3A_17 = vector.load %arg5[%get3A_16] : memref<64xf32, #tpu.memory_space<vmem>>, vector<64xf32>
    %broadcast_in_dim3A_18 = vector.shape_cast %get3A_17 : vector<64xf32> to vector<1x64xf32>
    %add3A_19 = vector.broadcast %broadcast_in_dim3A_18 : vector<1x64xf32> to vector<64x64xf32>
    %add3A_20 = arith.addf %dot_general3A_15, %add3A_19 : vector<64x64xf32>
    %max3A_21 = arith.constant 0.000000e+00 : f32
    %max3A_22 = vector.broadcast %max3A_21 : f32 to vector<64x64xf32>
    %max3A_23 = arith.maximumf %add3A_20, %max3A_22 : vector<64x64xf32>
    %get3A_24 = arith.constant 0 : index
    %get3A_25 = arith.constant 0 : index
    %get3A_26 = vector.load %arg6[%get3A_24, %get3A_25] : memref<16x64xf32, #tpu.memory_space<vmem>>, vector<16x64xf32>
    %dot_general3A_27 = arith.constant dense<0.000000e+00> : vector<64x16xf32>
    %dot_general3A_28 = tpu.matmul %max3A_23, %get3A_26, %dot_general3A_27 {dimension_numbers = #tpu.dot_dimension_numbers<[1], [1], [0], [0], [0, 0, 1, 0], [], []>, transpose_lhs_hint = false} : vector<64x64xf32>, vector<16x64xf32>, vector<64x16xf32> -> vector<64x16xf32>
    %get3A_29 = arith.constant 0 : index
    %get3A_30 = vector.load %arg7[%get3A_29] : memref<16xf32, #tpu.memory_space<vmem>>, vector<16xf32>
    %broadcast_in_dim3A_31 = vector.shape_cast %get3A_30 : vector<16xf32> to vector<1x16xf32>
    %add3A_32 = vector.broadcast %broadcast_in_dim3A_31 : vector<1x16xf32> to vector<64x16xf32>
    %add3A_33 = arith.addf %dot_general3A_28, %add3A_32 : vector<64x16xf32>
    %max3A_34 = arith.constant 0.000000e+00 : f32
    %max3A_35 = vector.broadcast %max3A_34 : f32 to vector<64x16xf32>
    %max3A_36 = arith.maximumf %add3A_33, %max3A_35 : vector<64x16xf32>
    %get3A_37 = arith.constant 0 : index
    %get3A_38 = arith.constant 0 : index
    %get3A_39 = vector.load %arg8[%get3A_37, %get3A_38] : memref<16x64xf32, #tpu.memory_space<vmem>>, vector<16x64xf32>
    %dot_general3A_40 = arith.constant dense<0.000000e+00> : vector<64x64xf32>
    %dot_general3A_41 = tpu.matmul %max3A_36, %get3A_39, %dot_general3A_40 {dimension_numbers = #tpu.dot_dimension_numbers<[1], [0], [0], [1], [0, 0, 1, 1], [], []>, transpose_lhs_hint = false} : vector<64x16xf32>, vector<16x64xf32>, vector<64x64xf32> -> vector<64x64xf32>
    %get3A_42 = arith.constant 0 : index
    %get3A_43 = vector.load %arg9[%get3A_42] : memref<64xf32, #tpu.memory_space<vmem>>, vector<64xf32>
    %broadcast_in_dim3A_44 = vector.shape_cast %get3A_43 : vector<64xf32> to vector<1x64xf32>
    %add3A_45 = vector.broadcast %broadcast_in_dim3A_44 : vector<1x64xf32> to vector<64x64xf32>
    %add3A_46 = arith.addf %dot_general3A_41, %add3A_45 : vector<64x64xf32>
    %max3A_47 = arith.constant 0.000000e+00 : f32
    %max3A_48 = vector.broadcast %max3A_47 : f32 to vector<64x64xf32>
    %max3A_49 = arith.maximumf %add3A_46, %max3A_48 : vector<64x64xf32>
    %get3A_50 = arith.constant 0 : index
    %get3A_51 = vector.load %arg10[%get3A_50] : memref<64xf32, #tpu.memory_space<vmem>>, vector<64xf32>
    %broadcast_in_dim3A_52 = vector.shape_cast %get3A_51 : vector<64xf32> to vector<1x64xf32>
    %mul3A = vector.broadcast %broadcast_in_dim3A_52 : vector<1x64xf32> to vector<64x64xf32>
    %mul3A_53 = arith.mulf %mul3A, %max3A_49 : vector<64x64xf32>
    %sqrt3A = arith.constant 1.000010e+00 : f32
    %sqrt3A_54 = math.sqrt %sqrt3A : f32
    %div3A = vector.broadcast %sqrt3A_54 : f32 to vector<64x64xf32>
    %div3A_55 = arith.divf %mul3A_53, %div3A : vector<64x64xf32>
    %get3A_56 = arith.constant 0 : index
    %get3A_57 = vector.load %arg11[%get3A_56] : memref<64xf32, #tpu.memory_space<vmem>>, vector<64xf32>
    %broadcast_in_dim3A_58 = vector.shape_cast %get3A_57 : vector<64xf32> to vector<1x64xf32>
    %add3A_59 = vector.broadcast %broadcast_in_dim3A_58 : vector<1x64xf32> to vector<64x64xf32>
    %add3A_60 = arith.addf %div3A_55, %add3A_59 : vector<64x64xf32>
    %add3A_61 = arith.addf %max3A_23, %add3A_60 : vector<64x64xf32>
    %swap3A = arith.constant 0 : index
    %swap3A_62 = arith.constant 0 : index
    %swap3A_63 = vector.load %arg17[%swap3A, %swap3A_62] : memref<64x64xf32, #tpu.memory_space<vmem>>, vector<64x64xf32>
    tpu.vector_store %arg17[%swap3A, %swap3A_62], %add3A_61 {strides = array<i32>} : memref<64x64xf32, #tpu.memory_space<vmem>>, vector<64x64xf32>,
    %broadcast_in_dim3A_64 = vector.shape_cast %add3A_61 : vector<64x64xf32> to vector<64x64x1xf32>
    %get3A_65 = arith.constant 0 : index
    %get3A_66 = arith.constant 0 : index
    %get3A_67 = vector.load %arg13[%get3A_65, %get3A_66] : memref<1x64xf32, #tpu.memory_space<vmem>>, vector<1x64xf32>
    %get3A_68 = vector.shape_cast %get3A_67 : vector<1x64xf32> to vector<64xf32>
    %broadcast_in_dim3A_69 = vector.shape_cast %get3A_68 : vector<64xf32> to vector<1x1x64xf32>
    %mul3A_70 = vector.broadcast %broadcast_in_dim3A_64 : vector<64x64x1xf32> to vector<64x64x64xf32>
    %mul3A_71 = vector.broadcast %broadcast_in_dim3A_69 : vector<1x1x64xf32> to vector<64x64x64xf32>
    %mul3A_72 = arith.mulf %mul3A_70, %mul3A_71 : vector<64x64x64xf32>
    %get3A_73 = arith.constant 0 : index
    %get3A_74 = vector.load %arg14[%get3A_73] : memref<64xf32, #tpu.memory_space<vmem>>, vector<64xf32>
    %broadcast_in_dim3A_75 = vector.shape_cast %get3A_74 : vector<64xf32> to vector<1x1x64xf32>
    %add3A_76 = vector.broadcast %broadcast_in_dim3A_75 : vector<1x1x64xf32> to vector<64x64x64xf32>
    %add3A_77 = arith.addf %mul3A_72, %add3A_76 : vector<64x64x64xf32>
    %max3A_78 = arith.constant 0.000000e+00 : f32
    %max3A_79 = vector.broadcast %max3A_78 : f32 to vector<64x64x64xf32>
    %max3A_80 = arith.maximumf %add3A_77, %max3A_79 : vector<64x64x64xf32>
    %reshape3A = vector.shape_cast %max3A_80 : vector<64x64x64xf32> to vector<4096x64xf32>
    %get3A_81 = arith.constant 0 : index
    %get3A_82 = arith.constant 0 : index
    %get3A_83 = vector.load %arg15[%get3A_81, %get3A_82] : memref<64x128xf32, #tpu.memory_space<vmem>>, vector<64x128xf32>
    %dot_general3A_84 = arith.constant dense<0.000000e+00> : vector<4096x128xf32>
    %dot_general3A_85 = tpu.matmul %reshape3A, %get3A_83, %dot_general3A_84 {dimension_numbers = #tpu.dot_dimension_numbers<[1], [0], [0], [1], [0, 0, 1, 1], [], []>, transpose_lhs_hint = false} : vector<4096x64xf32>, vector<64x128xf32>, vector<4096x128xf32> -> vector<4096x128xf32>
    %get3A_86 = arith.constant 0 : index
    %get3A_87 = vector.load %arg16[%get3A_86] : memref<128xf32, #tpu.memory_space<vmem>>, vector<128xf32>
    %broadcast_in_dim3A_88 = vector.shape_cast %get3A_87 : vector<128xf32> to vector<1x128xf32>
    %add3A_89 = vector.broadcast %broadcast_in_dim3A_88 : vector<1x128xf32> to vector<4096x128xf32>
    %add3A_90 = arith.addf %dot_general3A_85, %add3A_89 : vector<4096x128xf32>
    %get3A_91 = arith.constant 0 : index
    %get3A_92 = arith.constant 0 : index
    %get3A_93 = vector.load %arg12[%get3A_91, %get3A_92] : memref<1024x128xf32, #tpu.memory_space<vmem>>, vector<1024x128xf32>
    %mul3A_94 = arith.mulf %add3A_90, %add3A_90 : vector<4096x128xf32>
    %reduce_sum3A = arith.constant dense<0.000000e+00> : vector<4096xf32>
    %reduce_sum3A_95 = vector.multi_reduction <add>, %mul3A_94, %reduce_sum3A [1] : vector<4096x128xf32> to vector<4096xf32>
    %broadcast_in_dim3A_96 = vector.shape_cast %reduce_sum3A_95 : vector<4096xf32> to vector<4096x1xf32>
    %mul3A_97 = arith.mulf %get3A_93, %get3A_93 : vector<1024x128xf32>
    %reduce_sum3A_98 = arith.constant dense<0.000000e+00> : vector<1024xf32>
    %reduce_sum3A_99 = vector.multi_reduction <add>, %mul3A_97, %reduce_sum3A_98 [1] : vector<1024x128xf32> to vector<1024xf32>
    %dot_general3A_100 = arith.constant dense<0.000000e+00> : vector<4096x1024xf32>
    %dot_general3A_101 = tpu.matmul %add3A_90, %get3A_93, %dot_general3A_100 {dimension_numbers = #tpu.dot_dimension_numbers<[1], [1], [0], [0], [0, 0, 1, 0], [], []>, transpose_lhs_hint = false} : vector<4096x128xf32>, vector<1024x128xf32>, vector<4096x1024xf32> -> vector<4096x1024xf32>
    %broadcast_in_dim3A_102 = vector.shape_cast %reduce_sum3A_99 : vector<1024xf32> to vector<1x1024xf32>
    %add3A_103 = vector.broadcast %broadcast_in_dim3A_96 : vector<4096x1xf32> to vector<4096x1024xf32>
    %add3A_104 = vector.broadcast %broadcast_in_dim3A_102 : vector<1x1024xf32> to vector<4096x1024xf32>
    %add3A_105 = arith.addf %add3A_103, %add3A_104 : vector<4096x1024xf32>
    %mul3A_106 = arith.constant 2.000000e+00 : f32
    %mul3A_107 = vector.broadcast %mul3A_106 : f32 to vector<4096x1024xf32>
    %mul3A_108 = arith.mulf %mul3A_107, %dot_general3A_101 : vector<4096x1024xf32>
    %sub3A = arith.subf %add3A_105, %mul3A_108 : vector<4096x1024xf32>
    %reduce_min3A = arith.constant dense<0x7F800000> : vector<4096xf32>
    %reduce_min3A_109 = vector.multi_reduction <minimumf>, %sub3A, %reduce_min3A [1] : vector<4096x1024xf32> to vector<4096xf32>
    %broadcast_in_dim3A_110 = vector.shape_cast %reduce_min3A_109 : vector<4096xf32> to vector<4096x1xf32>
    %eq3A = vector.broadcast %broadcast_in_dim3A_110 : vector<4096x1xf32> to vector<4096x1024xf32>
    %eq3A_111 = arith.cmpf oeq, %sub3A, %eq3A : vector<4096x1024xf32>
    %iota3A = tpu.iota {dimensions = array<i32: 1>} : vector<4096x1024xi32>
    %jit3A = arith.constant 1024 : i32
    %broadcast_in_dim3A_112 = vector.broadcast %jit3A : i32 to vector<4096x1024xi32>
    %select_n3A = arith.select %eq3A_111, %iota3A, %broadcast_in_dim3A_112 : vector<4096x1024xi1>, vector<4096x1024xi32>
    %reduce_min3A_113 = arith.constant dense<2147483647> : vector<4096xi32>
    %reduce_min3A_114 = vector.multi_reduction <minsi>, %select_n3A, %reduce_min3A_113 [1] : vector<4096x1024xi32> to vector<4096xi32>
    %broadcast_in_dim3A_115 = vector.shape_cast %reduce_min3A_114 : vector<4096xi32> to vector<4096x1xi32>
    %transpose3A = tpu.transpose %broadcast_in_dim3A_115, [1, 0] : vector<4096x1xi32> -> vector<1x4096xi32>
    %broadcast_in_dim3A_116 = vector.shape_cast %transpose3A : vector<1x4096xi32> to vector<1x1x4096xi32>
    %swap3A_117 = arith.constant 0 : index
    %swap3A_118 = arith.constant 0 : index
    %swap3A_119 = arith.constant 0 : index
    %swap3A_120 = vector.load %arg18[%swap3A_117, %swap3A_118, %swap3A_119] : memref<1x1x4096xi32, #tpu.memory_space<vmem>>, vector<1x1x4096xi32>
    tpu.vector_store %arg18[%swap3A_117, %swap3A_118, %swap3A_119], %broadcast_in_dim3A_116 {strides = array<i32>} : memref<1x1x4096xi32, #tpu.memory_space<vmem>>, vector<1x1x4096xi32>,
    %convert_element_type3A = arith.extui %eq3A_111 : vector<4096x1024xi1> to vector<4096x1024xi32>
    %convert_element_type3A_121 = arith.sitofp %convert_element_type3A : vector<4096x1024xi32> to vector<4096x1024xf32>
    %reduce_sum3A_122 = arith.constant dense<0.000000e+00> : vector<1024xf32>
    %reduce_sum3A_123 = vector.multi_reduction <add>, %convert_element_type3A_121, %reduce_sum3A_122 [0] : vector<4096x1024xf32> to vector<1024xf32>
    %broadcast_in_dim3A_124 = vector.shape_cast %reduce_sum3A_123 : vector<1024xf32> to vector<1x1024xf32>
    %reduce_sum3A_125 = vector.shape_cast %broadcast_in_dim3A_110 : vector<4096x1xf32> to vector<1x4096x1xf32>
    %reduce_sum3A_126 = arith.constant dense<0.000000e+00> : vector<1xf32>
    %reduce_sum3A_127 = vector.multi_reduction <add>, %reduce_sum3A_125, %reduce_sum3A_126 [1, 2] : vector<1x4096x1xf32> to vector<1xf32>
    %reduce_sum3A_128 = vector.shape_cast %reduce_sum3A_127 : vector<1xf32> to vector<1x1x1xf32>
    %reduce_sum3A_129 = vector.extract %reduce_sum3A_128[0, 0, 0] : f32 from vector<1x1x1xf32>
    %eq3A_130 = arith.constant 0 : i32
    %eq3A_131 = arith.cmpi eq, %arg0, %eq3A_130 : i32
    %convert_element_type3A_132 = arith.extui %eq3A_131 : i1 to i32
    %cond3A = arith.constant 0 : i32
    %cond3A_133 = arith.cmpi ne, %convert_element_type3A_132, %cond3A : i32
    scf.if %cond3A_133 {
      %swap3A_138 = arith.constant 0 : index
      %swap3A_139 = arith.constant 0 : index
      %swap3A_140 = vector.load %arg19[%swap3A_138, %swap3A_139] : memref<1x1024xf32, #tpu.memory_space<vmem>>, vector<1x1024xf32>
      tpu.vector_store %arg19[%swap3A_138, %swap3A_139], %broadcast_in_dim3A_124 {strides = array<i32>} : memref<1x1024xf32, #tpu.memory_space<vmem>>, vector<1x1024xf32>,
      %swap3A_141 = arith.constant 0 : index
      %swap3A_142 = arith.constant 0 : index
      %swap3A_143 = memref.load %arg20[%swap3A_141, %swap3A_142] : memref<1x1xf32, #tpu.memory_space<smem>>
      memref.store %reduce_sum3A_129, %arg20[%swap3A_141, %swap3A_142] : memref<1x1xf32, #tpu.memory_space<smem>>
    } else {
    }
    %ne3A = arith.constant 0 : i32
    %ne3A_134 = arith.cmpi ne, %arg0, %ne3A : i32
    %convert_element_type3A_135 = arith.extui %ne3A_134 : i1 to i32
    %cond3A_136 = arith.constant 0 : i32
    %cond3A_137 = arith.cmpi ne, %convert_element_type3A_135, %cond3A_136 : i32
    scf.if %cond3A_137 {
      %get3A_138 = arith.constant 0 : index
      %get3A_139 = arith.constant 0 : index
      %get3A_140 = vector.load %arg19[%get3A_138, %get3A_139] : memref<1x1024xf32, #tpu.memory_space<vmem>>, vector<1x1024xf32>
      %add3A_141 = arith.addf %get3A_140, %broadcast_in_dim3A_124 : vector<1x1024xf32>
      %swap3A_142 = arith.constant 0 : index
      %swap3A_143 = arith.constant 0 : index
      %swap3A_144 = vector.load %arg19[%swap3A_142, %swap3A_143] : memref<1x1024xf32, #tpu.memory_space<vmem>>, vector<1x1024xf32>
      tpu.vector_store %arg19[%swap3A_142, %swap3A_143], %add3A_141 {strides = array<i32>} : memref<1x1024xf32, #tpu.memory_space<vmem>>, vector<1x1024xf32>,
      %get3A_145 = arith.constant 0 : index
      %get3A_146 = arith.constant 0 : index
      %get3A_147 = memref.load %arg20[%get3A_145, %get3A_146] : memref<1x1xf32, #tpu.memory_space<smem>>
      %add3A_148 = arith.addf %get3A_147, %reduce_sum3A_129 : f32
      %swap3A_149 = arith.constant 0 : index
      %swap3A_150 = arith.constant 0 : index
      %swap3A_151 = memref.load %arg20[%swap3A_149, %swap3A_150] : memref<1x1xf32, #tpu.memory_space<smem>>
      memref.store %add3A_148, %arg20[%swap3A_149, %swap3A_150] : memref<1x1xf32, #tpu.memory_space<smem>>
    } else {
    }
    return
  }
  func.func @transform_0(%arg0: i32) -> (i32, i32) {
    %c0_i32 = arith.constant 0 : i32
    %c0_i32_0 = arith.constant 0 : i32
    return %arg0, %c0_i32 : i32, i32
  }
  func.func @transform_1(%arg0: i32) -> (i32, i32) {
    %c0_i32 = arith.constant 0 : i32
    %c0_i32_0 = arith.constant 0 : i32
    %c0_i32_1 = arith.constant 0 : i32
    return %c0_i32, %c0_i32_0 : i32, i32
  }
  func.func @transform_2(%arg0: i32) -> i32 {
    %c0_i32 = arith.constant 0 : i32
    %c0_i32_0 = arith.constant 0 : i32
    return %c0_i32 : i32
  }
  func.func @transform_3(%arg0: i32) -> (i32, i32) {
    %c0_i32 = arith.constant 0 : i32
    %c0_i32_0 = arith.constant 0 : i32
    %c0_i32_1 = arith.constant 0 : i32
    return %c0_i32, %c0_i32_0 : i32, i32
  }
  func.func @transform_4(%arg0: i32) -> i32 {
    %c0_i32 = arith.constant 0 : i32
    %c0_i32_0 = arith.constant 0 : i32
    return %c0_i32 : i32
  }
  func.func @transform_5(%arg0: i32) -> (i32, i32) {
    %c0_i32 = arith.constant 0 : i32
    %c0_i32_0 = arith.constant 0 : i32
    %c0_i32_1 = arith.constant 0 : i32
    return %c0_i32, %c0_i32_0 : i32, i32
  }
  func.func @transform_6(%arg0: i32) -> i32 {
    %c0_i32 = arith.constant 0 : i32
    %c0_i32_0 = arith.constant 0 : i32
    return %c0_i32 : i32
  }
  func.func @transform_7(%arg0: i32) -> (i32, i32) {
    %c0_i32 = arith.constant 0 : i32
    %c0_i32_0 = arith.constant 0 : i32
    %c0_i32_1 = arith.constant 0 : i32
    return %c0_i32, %c0_i32_0 : i32, i32
  }
  func.func @transform_8(%arg0: i32) -> i32 {
    %c0_i32 = arith.constant 0 : i32
    %c0_i32_0 = arith.constant 0 : i32
    return %c0_i32 : i32
  }
  func.func @transform_9(%arg0: i32) -> i32 {
    %c0_i32 = arith.constant 0 : i32
    %c0_i32_0 = arith.constant 0 : i32
    return %c0_i32 : i32
  }
  func.func @transform_10(%arg0: i32) -> i32 {
    %c0_i32 = arith.constant 0 : i32
    %c0_i32_0 = arith.constant 0 : i32
    return %c0_i32 : i32
  }
  func.func @transform_11(%arg0: i32) -> (i32, i32) {
    %c0_i32 = arith.constant 0 : i32
    %c0_i32_0 = arith.constant 0 : i32
    %c0_i32_1 = arith.constant 0 : i32
    return %c0_i32, %c0_i32_0 : i32, i32
  }
  func.func @transform_12(%arg0: i32) -> (i32, i32) {
    %c0_i32 = arith.constant 0 : i32
    %c0_i32_0 = arith.constant 0 : i32
    %c0_i32_1 = arith.constant 0 : i32
    return %c0_i32, %c0_i32_0 : i32, i32
  }
  func.func @transform_13(%arg0: i32) -> i32 {
    %c0_i32 = arith.constant 0 : i32
    %c0_i32_0 = arith.constant 0 : i32
    return %c0_i32 : i32
  }
  func.func @transform_14(%arg0: i32) -> (i32, i32) {
    %c0_i32 = arith.constant 0 : i32
    %c0_i32_0 = arith.constant 0 : i32
    %c0_i32_1 = arith.constant 0 : i32
    return %c0_i32, %c0_i32_0 : i32, i32
  }
  func.func @transform_15(%arg0: i32) -> i32 {
    %c0_i32 = arith.constant 0 : i32
    %c0_i32_0 = arith.constant 0 : i32
    return %c0_i32 : i32
  }
  func.func @transform_16(%arg0: i32) -> (i32, i32) {
    %c0_i32 = arith.constant 0 : i32
    %c0_i32_0 = arith.constant 0 : i32
    return %arg0, %c0_i32 : i32, i32
  }
  func.func @transform_17(%arg0: i32) -> (i32, i32, i32) {
    %c0_i32 = arith.constant 0 : i32
    %c0_i32_0 = arith.constant 0 : i32
    %c0_i32_1 = arith.constant 0 : i32
    return %arg0, %c0_i32, %c0_i32_0 : i32, i32, i32
  }
  func.func @transform_18(%arg0: i32) -> (i32, i32) {
    %c0_i32 = arith.constant 0 : i32
    %c0_i32_0 = arith.constant 0 : i32
    %c0_i32_1 = arith.constant 0 : i32
    return %c0_i32, %c0_i32_0 : i32, i32
  }
  func.func @transform_19(%arg0: i32) -> (i32, i32) {
    %c0_i32 = arith.constant 0 : i32
    %c0_i32_0 = arith.constant 0 : i32
    %c0_i32_1 = arith.constant 0 : i32
    return %c0_i32, %c0_i32_0 : i32, i32
  }
}

module attributes {stable_mosaic.version = 14 : i64} {
  func.func @_tail_body(%arg0: memref<32768x128xf32, #tpu.memory_space<vmem>>, %arg1: memref<1x1024xf32, #tpu.memory_space<vmem>>, %arg2: memref<1x1xf32, #tpu.memory_space<smem>>, %arg3: memref<64x8192xf32, #tpu.memory_space<vmem>>, %arg4: memref<64xf32, #tpu.memory_space<vmem>>, %arg5: memref<16x64xf32, #tpu.memory_space<vmem>>, %arg6: memref<16xf32, #tpu.memory_space<vmem>>, %arg7: memref<16x64xf32, #tpu.memory_space<vmem>>, %arg8: memref<64xf32, #tpu.memory_space<vmem>>, %arg9: memref<64xf32, #tpu.memory_space<vmem>>, %arg10: memref<64xf32, #tpu.memory_space<vmem>>, %arg11: memref<64x512xf32, #tpu.memory_space<vmem>>, %arg12: memref<512xf32, #tpu.memory_space<vmem>>, %arg13: memref<512x512xf32, #tpu.memory_space<vmem>>, %arg14: memref<512xf32, #tpu.memory_space<vmem>>, %arg15: memref<10x8192xf32, #tpu.memory_space<vmem>>, %arg16: memref<10xf32, #tpu.memory_space<vmem>>, %arg17: memref<512x8192xf32, #tpu.memory_space<vmem>>, %arg18: memref<512x512xf32, #tpu.memory_space<vmem>>, %arg19: memref<10x512xf32, #tpu.memory_space<vmem>>, %arg20: memref<1x1xf32, #tpu.memory_space<smem>>, %arg21: memref<1x1xf32, #tpu.memory_space<smem>>) attributes {dimension_semantics = [], scalar_prefetch = 0 : i64, scratch_operands = 0 : i64, tpu.core_type = #tpu.core_type<tc>} {
    %get3A = arith.constant 0 : index
    %get3A_0 = arith.constant 0 : index
    %get3A_1 = memref.load %arg2[%get3A, %get3A_0] : memref<1x1xf32, #tpu.memory_space<smem>>
    %div3A = arith.constant 0x4A800000 : f32
    %div3A_2 = arith.divf %get3A_1, %div3A : f32
    %mul3A = arith.constant 2.500000e-01 : f32
    %mul3A_3 = arith.mulf %mul3A, %div3A_2 : f32
    %add3A = arith.addf %div3A_2, %mul3A_3 : f32
    %swap3A = arith.constant 0 : index
    %swap3A_4 = arith.constant 0 : index
    %swap3A_5 = memref.load %arg20[%swap3A, %swap3A_4] : memref<1x1xf32, #tpu.memory_space<smem>>
    memref.store %add3A, %arg20[%swap3A, %swap3A_4] : memref<1x1xf32, #tpu.memory_space<smem>>
    %get3A_6 = arith.constant 0 : index
    %get3A_7 = arith.constant 0 : index
    %get3A_8 = vector.load %arg1[%get3A_6, %get3A_7] : memref<1x1024xf32, #tpu.memory_space<vmem>>, vector<1x1024xf32>
    %div3A_9 = arith.constant 3.276800e+04 : f32
    %div3A_10 = vector.broadcast %div3A_9 : f32 to vector<1x1024xf32>
    %div3A_11 = arith.divf %get3A_8, %div3A_10 : vector<1x1024xf32>
    %add3A_12 = arith.constant 1.000000e-10 : f32
    %add3A_13 = vector.broadcast %add3A_12 : f32 to vector<1x1024xf32>
    %add3A_14 = arith.addf %div3A_11, %add3A_13 : vector<1x1024xf32>
    %log3A = math.log %add3A_14 : vector<1x1024xf32>
    %mul3A_15 = arith.mulf %div3A_11, %log3A : vector<1x1024xf32>
    %reduce_sum3A = vector.shape_cast %mul3A_15 : vector<1x1024xf32> to vector<1x1x1024xf32>
    %reduce_sum3A_16 = arith.constant dense<0.000000e+00> : vector<1xf32>
    %reduce_sum3A_17 = vector.multi_reduction <add>, %reduce_sum3A, %reduce_sum3A_16 [1, 2] : vector<1x1x1024xf32> to vector<1xf32>
    %reduce_sum3A_18 = vector.shape_cast %reduce_sum3A_17 : vector<1xf32> to vector<1x1x1xf32>
    %reduce_sum3A_19 = vector.extract %reduce_sum3A_18[0, 0, 0] : f32 from vector<1x1x1xf32>
    %neg3A = arith.constant 0.000000e+00 : f32
    %neg3A_20 = arith.subf %neg3A, %reduce_sum3A_19 : f32
    %exp3A = math.exp %neg3A_20 : f32
    %swap3A_21 = arith.constant 0 : index
    %swap3A_22 = arith.constant 0 : index
    %swap3A_23 = memref.load %arg21[%swap3A_21, %swap3A_22] : memref<1x1xf32, #tpu.memory_space<smem>>
    memref.store %exp3A, %arg21[%swap3A_21, %swap3A_22] : memref<1x1xf32, #tpu.memory_space<smem>>
    %get3A_24 = arith.constant 0 : index
    %get3A_25 = arith.constant 0 : index
    %get3A_26 = vector.load %arg0[%get3A_24, %get3A_25] : memref<32768x128xf32, #tpu.memory_space<vmem>>, vector<32768x128xf32>
    %reshape3A = vector.shape_cast %get3A_26 : vector<32768x128xf32> to vector<512x8192xf32>
    %swap3A_27 = arith.constant 0 : index
    %swap3A_28 = arith.constant 0 : index
    %swap3A_29 = vector.load %arg17[%swap3A_27, %swap3A_28] : memref<512x8192xf32, #tpu.memory_space<vmem>>, vector<512x8192xf32>
    tpu.vector_store %arg17[%swap3A_27, %swap3A_28], %reshape3A {strides = array<i32>} : memref<512x8192xf32, #tpu.memory_space<vmem>>, vector<512x8192xf32>,
    %get3A_30 = arith.constant 0 : index
    %get3A_31 = arith.constant 0 : index
    %get3A_32 = vector.load %arg15[%get3A_30, %get3A_31] : memref<10x8192xf32, #tpu.memory_space<vmem>>, vector<10x8192xf32>
    %dot_general3A = arith.constant dense<0.000000e+00> : vector<10x512xf32>
    %dot_general3A_33 = tpu.matmul %get3A_32, %reshape3A, %dot_general3A {dimension_numbers = #tpu.dot_dimension_numbers<[1], [1], [0], [0], [0, 0, 1, 0], [], []>, transpose_lhs_hint = false} : vector<10x8192xf32>, vector<512x8192xf32>, vector<10x512xf32> -> vector<10x512xf32>
    %get3A_34 = arith.constant 0 : index
    %get3A_35 = vector.load %arg16[%get3A_34] : memref<10xf32, #tpu.memory_space<vmem>>, vector<10xf32>
    %broadcast_in_dim3A = vector.shape_cast %get3A_35 : vector<10xf32> to vector<10x1xf32>
    %add3A_36 = vector.broadcast %broadcast_in_dim3A : vector<10x1xf32> to vector<10x512xf32>
    %add3A_37 = arith.addf %dot_general3A_33, %add3A_36 : vector<10x512xf32>
    %logistic3A = arith.negf %add3A_37 : vector<10x512xf32>
    %logistic3A_38 = math.exp %logistic3A : vector<10x512xf32>
    %logistic3A_39 = arith.constant 1.000000e+00 : f32
    %logistic3A_40 = vector.broadcast %logistic3A_39 : f32 to vector<10x512xf32>
    %logistic3A_41 = arith.addf %logistic3A_40, %logistic3A_38 : vector<10x512xf32>
    %logistic3A_42 = arith.divf %logistic3A_40, %logistic3A_41 : vector<10x512xf32>
    %swap3A_43 = arith.constant 0 : index
    %swap3A_44 = arith.constant 0 : index
    %swap3A_45 = vector.load %arg19[%swap3A_43, %swap3A_44] : memref<10x512xf32, #tpu.memory_space<vmem>>, vector<10x512xf32>
    tpu.vector_store %arg19[%swap3A_43, %swap3A_44], %logistic3A_42 {strides = array<i32>} : memref<10x512xf32, #tpu.memory_space<vmem>>, vector<10x512xf32>,
    %get3A_46 = arith.constant 0 : index
    %get3A_47 = arith.constant 0 : index
    %get3A_48 = vector.load %arg3[%get3A_46, %get3A_47] : memref<64x8192xf32, #tpu.memory_space<vmem>>, vector<64x8192xf32>
    %dot_general3A_49 = arith.constant dense<0.000000e+00> : vector<512x64xf32>
    %dot_general3A_50 = tpu.matmul %reshape3A, %get3A_48, %dot_general3A_49 {dimension_numbers = #tpu.dot_dimension_numbers<[1], [1], [0], [0], [0, 0, 1, 0], [], []>, transpose_lhs_hint = false} : vector<512x8192xf32>, vector<64x8192xf32>, vector<512x64xf32> -> vector<512x64xf32>
    %get3A_51 = arith.constant 0 : index
    %get3A_52 = vector.load %arg4[%get3A_51] : memref<64xf32, #tpu.memory_space<vmem>>, vector<64xf32>
    %broadcast_in_dim3A_53 = vector.shape_cast %get3A_52 : vector<64xf32> to vector<1x64xf32>
    %add3A_54 = vector.broadcast %broadcast_in_dim3A_53 : vector<1x64xf32> to vector<512x64xf32>
    %add3A_55 = arith.addf %dot_general3A_50, %add3A_54 : vector<512x64xf32>
    %max3A = arith.constant 0.000000e+00 : f32
    %max3A_56 = vector.broadcast %max3A : f32 to vector<512x64xf32>
    %max3A_57 = arith.maximumf %add3A_55, %max3A_56 : vector<512x64xf32>
    %get3A_58 = arith.constant 0 : index
    %get3A_59 = arith.constant 0 : index
    %get3A_60 = vector.load %arg5[%get3A_58, %get3A_59] : memref<16x64xf32, #tpu.memory_space<vmem>>, vector<16x64xf32>
    %dot_general3A_61 = arith.constant dense<0.000000e+00> : vector<512x16xf32>
    %dot_general3A_62 = tpu.matmul %max3A_57, %get3A_60, %dot_general3A_61 {dimension_numbers = #tpu.dot_dimension_numbers<[1], [1], [0], [0], [0, 0, 1, 0], [], []>, transpose_lhs_hint = false} : vector<512x64xf32>, vector<16x64xf32>, vector<512x16xf32> -> vector<512x16xf32>
    %get3A_63 = arith.constant 0 : index
    %get3A_64 = vector.load %arg6[%get3A_63] : memref<16xf32, #tpu.memory_space<vmem>>, vector<16xf32>
    %broadcast_in_dim3A_65 = vector.shape_cast %get3A_64 : vector<16xf32> to vector<1x16xf32>
    %add3A_66 = vector.broadcast %broadcast_in_dim3A_65 : vector<1x16xf32> to vector<512x16xf32>
    %add3A_67 = arith.addf %dot_general3A_62, %add3A_66 : vector<512x16xf32>
    %max3A_68 = arith.constant 0.000000e+00 : f32
    %max3A_69 = vector.broadcast %max3A_68 : f32 to vector<512x16xf32>
    %max3A_70 = arith.maximumf %add3A_67, %max3A_69 : vector<512x16xf32>
    %get3A_71 = arith.constant 0 : index
    %get3A_72 = arith.constant 0 : index
    %get3A_73 = vector.load %arg7[%get3A_71, %get3A_72] : memref<16x64xf32, #tpu.memory_space<vmem>>, vector<16x64xf32>
    %dot_general3A_74 = arith.constant dense<0.000000e+00> : vector<512x64xf32>
    %dot_general3A_75 = tpu.matmul %max3A_70, %get3A_73, %dot_general3A_74 {dimension_numbers = #tpu.dot_dimension_numbers<[1], [0], [0], [1], [0, 0, 1, 1], [], []>, transpose_lhs_hint = false} : vector<512x16xf32>, vector<16x64xf32>, vector<512x64xf32> -> vector<512x64xf32>
    %get3A_76 = arith.constant 0 : index
    %get3A_77 = vector.load %arg8[%get3A_76] : memref<64xf32, #tpu.memory_space<vmem>>, vector<64xf32>
    %broadcast_in_dim3A_78 = vector.shape_cast %get3A_77 : vector<64xf32> to vector<1x64xf32>
    %add3A_79 = vector.broadcast %broadcast_in_dim3A_78 : vector<1x64xf32> to vector<512x64xf32>
    %add3A_80 = arith.addf %dot_general3A_75, %add3A_79 : vector<512x64xf32>
    %max3A_81 = arith.constant 0.000000e+00 : f32
    %max3A_82 = vector.broadcast %max3A_81 : f32 to vector<512x64xf32>
    %max3A_83 = arith.maximumf %add3A_80, %max3A_82 : vector<512x64xf32>
    %get3A_84 = arith.constant 0 : index
    %get3A_85 = vector.load %arg9[%get3A_84] : memref<64xf32, #tpu.memory_space<vmem>>, vector<64xf32>
    %broadcast_in_dim3A_86 = vector.shape_cast %get3A_85 : vector<64xf32> to vector<1x64xf32>
    %mul3A_87 = vector.broadcast %broadcast_in_dim3A_86 : vector<1x64xf32> to vector<512x64xf32>
    %mul3A_88 = arith.mulf %mul3A_87, %max3A_83 : vector<512x64xf32>
    %sqrt3A = arith.constant 1.000010e+00 : f32
    %sqrt3A_89 = math.sqrt %sqrt3A : f32
    %div3A_90 = vector.broadcast %sqrt3A_89 : f32 to vector<512x64xf32>
    %div3A_91 = arith.divf %mul3A_88, %div3A_90 : vector<512x64xf32>
    %get3A_92 = arith.constant 0 : index
    %get3A_93 = vector.load %arg10[%get3A_92] : memref<64xf32, #tpu.memory_space<vmem>>, vector<64xf32>
    %broadcast_in_dim3A_94 = vector.shape_cast %get3A_93 : vector<64xf32> to vector<1x64xf32>
    %add3A_95 = vector.broadcast %broadcast_in_dim3A_94 : vector<1x64xf32> to vector<512x64xf32>
    %add3A_96 = arith.addf %div3A_91, %add3A_95 : vector<512x64xf32>
    %add3A_97 = arith.addf %max3A_57, %add3A_96 : vector<512x64xf32>
    %get3A_98 = arith.constant 0 : index
    %get3A_99 = arith.constant 0 : index
    %get3A_100 = vector.load %arg11[%get3A_98, %get3A_99] : memref<64x512xf32, #tpu.memory_space<vmem>>, vector<64x512xf32>
    %dot_general3A_101 = arith.constant dense<0.000000e+00> : vector<512x512xf32>
    %dot_general3A_102 = tpu.matmul %add3A_97, %get3A_100, %dot_general3A_101 {dimension_numbers = #tpu.dot_dimension_numbers<[1], [0], [0], [1], [0, 0, 1, 1], [], []>, transpose_lhs_hint = false} : vector<512x64xf32>, vector<64x512xf32>, vector<512x512xf32> -> vector<512x512xf32>
    %get3A_103 = arith.constant 0 : index
    %get3A_104 = vector.load %arg12[%get3A_103] : memref<512xf32, #tpu.memory_space<vmem>>, vector<512xf32>
    %broadcast_in_dim3A_105 = vector.shape_cast %get3A_104 : vector<512xf32> to vector<1x512xf32>
    %add3A_106 = vector.broadcast %broadcast_in_dim3A_105 : vector<1x512xf32> to vector<512x512xf32>
    %add3A_107 = arith.addf %dot_general3A_102, %add3A_106 : vector<512x512xf32>
    %max3A_108 = arith.constant 0.000000e+00 : f32
    %max3A_109 = vector.broadcast %max3A_108 : f32 to vector<512x512xf32>
    %max3A_110 = arith.maximumf %add3A_107, %max3A_109 : vector<512x512xf32>
    %get3A_111 = arith.constant 0 : index
    %get3A_112 = arith.constant 0 : index
    %get3A_113 = vector.load %arg13[%get3A_111, %get3A_112] : memref<512x512xf32, #tpu.memory_space<vmem>>, vector<512x512xf32>
    %dot_general3A_114 = arith.constant dense<0.000000e+00> : vector<512x512xf32>
    %dot_general3A_115 = tpu.matmul %max3A_110, %get3A_113, %dot_general3A_114 {dimension_numbers = #tpu.dot_dimension_numbers<[1], [0], [0], [1], [0, 0, 1, 1], [], []>, transpose_lhs_hint = false} : vector<512x512xf32>, vector<512x512xf32>, vector<512x512xf32> -> vector<512x512xf32>
    %get3A_116 = arith.constant 0 : index
    %get3A_117 = vector.load %arg14[%get3A_116] : memref<512xf32, #tpu.memory_space<vmem>>, vector<512xf32>
    %broadcast_in_dim3A_118 = vector.shape_cast %get3A_117 : vector<512xf32> to vector<1x512xf32>
    %add3A_119 = vector.broadcast %broadcast_in_dim3A_118 : vector<1x512xf32> to vector<512x512xf32>
    %add3A_120 = arith.addf %dot_general3A_115, %add3A_119 : vector<512x512xf32>
    %max3A_121 = arith.constant 0.000000e+00 : f32
    %max3A_122 = vector.broadcast %max3A_121 : f32 to vector<512x512xf32>
    %max3A_123 = arith.maximumf %add3A_120, %max3A_122 : vector<512x512xf32>
    %swap3A_124 = arith.constant 0 : index
    %swap3A_125 = arith.constant 0 : index
    %swap3A_126 = vector.load %arg18[%swap3A_124, %swap3A_125] : memref<512x512xf32, #tpu.memory_space<vmem>>, vector<512x512xf32>
    tpu.vector_store %arg18[%swap3A_124, %swap3A_125], %max3A_123 {strides = array<i32>} : memref<512x512xf32, #tpu.memory_space<vmem>>, vector<512x512xf32>,
    return
  }
}

</mosaic_0001>

<sc_bundles>
// kernel: kernel.5.cloned.1.call-start
scs
__scs_entry_jumppad:
0x0: {  	(pc) =	sbr.rel $0x88, $3  }
0x1: {  	(tag) =	ssettag $0x0;
	lr =	simm.s32 $0x1  }
0x2: {  	[smem:$0x3F83] =	sst lr;
	_ =	strace $0xD0000000  }
0x3: {  	_ = 	snop  }
0x4: {  	_ = 	snop  }
0x5: {  	_ = 	snop  }
0x6: {  	_ = 	snop  }
0x7: {  	_ = 	snop  }
__scs_overlays_trampoline_lowered:
0x8: {  	[smem:$0x3F92] =	sst s0  }
0x9: {  	[smem:$0x3F93] =	sst s1  }
0xa: {  	[smem:$0x3F94] =	sst s2  }
0xb: {  	[smem:$0x3F95] =	sst s3  }
0xc: {  	[smem:$0x3F96] =	sst s4  }
0xd: {  	[smem:$0x3F97] =	sst s5  }
0xe: {  	[smem:$0x3F98] =	sst s6  }
0xf: {  	[smem:$0x3F99] =	sst s7  }
0x10: {  	[smem:$0x3F9A] =	sst s8  }
0x11: {  	[smem:$0x3F9B] =	sst s9;
	s0 =	simm.s32 @!p0 $0x0  }
0x12: {  	s1 =	sld [smem:$0x3F81];
	s0 =	simm.s32 @p0 $0x1  }
0x13: {  	[smem:$0x3F9C] =	sst s0;
	s0 =	simm.s32 @!p1 $0x0  }
0x14: {  	s2 =	sld [smem:$0x3F80];
	s0 =	simm.s32 @p1 $0x1  }
0x15: {  	[smem:$0x3F9D] =	sst s0;
	s0 =	simm.s32 @!p2 $0x0  }
0x16: {  	s3 =	sld [smem:$0x3FDB];
	s0 =	simm.s32 @p2 $0x1  }
0x17: {  	s4 =	simm.s32 $0x1BF5;
	[smem:$0x3F9F] =	sst s0  }
0x18: {  	s0 =	sld [smem:$0x3F82];
	_ =	swait.ge [sflag:s4], $0x0  }
0x19: {  	s7 =	sld [smem:$0x3F83]  }
0x1a: {  	s8 =	sadd.s32 $0xFFFFE003, lr  }
0x1b: {  	s9 =	sadd.s32 $0xFFFFFEF7, lr;
	s5 =	simm.s32 $0xFFFFFFFF;
	p2 =	slt.u32 s8, $0xFFFFF086  }
0x1c: {  	p1 =	slt.u32 s9, $0xF7A;
	s5 =	simm.s32 @!p2 $0x0  }
0x1d: {  	s5 =	simm.s32 @p1 $0x1;
	p0 =	seq.s32 s7, s2  }
0x1e: {  	s7 =	smul.u32 @!p0 $0xF7A, s2;
	p2 =	seq.s32 @!p0 s5, $0x0  }
0x1f: {  	s9 =	smul.u32 $0xF7A, s1;
	s8 =	simm.s32 @!p0 $0x1BF5;
	p2 =	por !p2, p0  }
0x20: {  	[sflag:s8] =	ssyncset.s32 @!p0 $0xFFFFF086;
	s6 =	sadd.s32 @!p0 s3, s7;
	s7 =	simm.s32 @!p0 $0x108  }
0x21: {  	s3 =	sadd.s32 s3, s9;
	s6 =	sadd.s32 @!p0 $0x88, s6;
	s7 =	simm.s32 @p2 $0x1082  }
0x22: {  	[simem:s7], [sflag:s8] =	dma.local @!p0 [hbm:s6], $0xF7A  }
0x23: {  	s9 =	sor.u32 $0xD0000000, s2;
	s6 =	simm.s32 $0x108;
	_ =	swait.ge @!p0 [sflag:s8], $0x0  }
0x24: {  	s3 =	sadd.s32 $0x88, s3;
	s6 =	simm.s32 @!p1 $0x1082;
	[sflag:s4] =	ssyncset.s32 $0xFFFFF086  }
0x25: {  	[simem:s6], [sflag:s4] =	dma.local [hbm:s3], $0xF7A  }
0x26: {  	[smem:$0x3F83] =	sst s1;
	(tag) =	ssettag s2;
	_ =	strace s9  }
0x27: {  	s1 =	sld [smem:$0x3F93]  }
0x28: {  	s2 =	sld [smem:$0x3F94]  }
0x29: {  	s4 =	sld [smem:$0x3F96]  }
0x2a: {  	p0 =	seq.s32 s5, $0x0;
	s5 =	sld [smem:$0x3F97]  }
0x2b: {  	s6 =	sld [smem:$0x3F98]  }
0x2c: {  	s7 =	sld [smem:$0x3F99]  }
0x2d: {  	s3 =	simm.s32 $0x108;
	s8 =	sld [smem:$0x3F9A]  }
0x2e: {  	s3 =	simm.s32 @!p0 $0x1082;
	s9 =	sld [smem:$0x3F9B]  }
0x2f: {  	lr =	sadd.s32 s0, s3;
	s0 =	sld [smem:$0x3F92]  }
0x30: {  	s3 =	sld [smem:$0x3F95]  }
0x31: {  	[smem:$0x3F9E] =	sst s10  }
0x32: {  	s10 =	sld [smem:$0x3F9C];
	_ =	sdelay $0x3  }
0x33: {  	p0 =	seq.s32 s10, $0x1;
	s10 =	sld [smem:$0x3F9E];
	_ =	sdelay $0x3  }
0x34: {  	[smem:$0x3F9E] =	sst s10  }
0x35: {  	s10 =	sld [smem:$0x3F9D];
	_ =	sdelay $0x3  }
0x36: {  	p1 =	seq.s32 s10, $0x1;
	s10 =	sld [smem:$0x3F9E];
	_ =	sdelay $0x3  }
0x37: {  	[smem:$0x3F9E] =	sst s10  }
0x38: {  	s10 =	sld [smem:$0x3F9F]  }
0x39: {  	_ = 	snop;
	(pc) =	sbr.ind lr, $3  }
0x3a: {  	_ = 	snop  }
0x3b: {  	_ = 	snop  }
0x3c: {  	p2 =	seq.s32 s10, $0x1;
	s10 =	sld [smem:$0x3F9E]  }
0x3d: {  	_ =	shalt  }
0x3e: {  	_ =	shalt  }
0x3f: {  	_ =	shalt  }
0x40: {  	_ =	shalt  }
0x41: {  	_ =	shalt  }
0x42: {  	_ =	shalt  }
0x43: {  	_ =	shalt  }
0x44: {  	_ =	shalt  }
0x45: {  	_ =	shalt  }
0x46: {  	_ =	shalt  }
0x47: {  	_ =	shalt  }
0x48: {  	_ =	shalt  }
0x49: {  	_ =	shalt  }
0x4a: {  	_ =	shalt  }
0x4b: {  	_ =	shalt  }
0x4c: {  	_ =	shalt  }
0x4d: {  	_ =	shalt  }
0x4e: {  	_ =	shalt  }
0x4f: {  	_ =	shalt  }
0x50: {  	_ =	shalt  }
0x51: {  	_ =	shalt  }
0x52: {  	_ =	shalt  }
0x53: {  	_ =	shalt  }
0x54: {  	_ =	shalt  }
0x55: {  	_ =	shalt  }
0x56: {  	_ =	shalt  }
0x57: {  	_ =	shalt  }
0x58: {  	_ =	shalt  }
0x59: {  	_ =	shalt  }
0x5a: {  	_ =	shalt  }
0x5b: {  	_ =	shalt  }
0x5c: {  	_ =	shalt  }
0x5d: {  	_ =	shalt  }
0x5e: {  	_ =	shalt  }
0x5f: {  	_ =	shalt  }
0x60: {  	_ =	shalt  }
0x61: {  	_ =	shalt  }
0x62: {  	_ =	shalt  }
0x63: {  	_ =	shalt  }
0x64: {  	_ =	shalt  }
0x65: {  	_ =	shalt  }
0x66: {  	_ =	shalt  }
0x67: {  	_ =	shalt  }
0x68: {  	_ =	shalt  }
0x69: {  	_ =	shalt  }
0x6a: {  	_ =	shalt  }
0x6b: {  	_ =	shalt  }
0x6c: {  	_ =	shalt  }
0x6d: {  	_ =	shalt  }
0x6e: {  	_ =	shalt  }
0x6f: {  	_ =	shalt  }
0x70: {  	_ =	shalt  }
0x71: {  	_ =	shalt  }
0x72: {  	_ =	shalt  }
0x73: {  	_ =	shalt  }
0x74: {  	_ =	shalt  }
0x75: {  	_ =	shalt  }
0x76: {  	_ =	shalt  }
0x77: {  	_ =	shalt  }
0x78: {  	_ =	shalt  }
0x79: {  	_ =	shalt  }
0x7a: {  	_ =	shalt  }
0x7b: {  	_ =	shalt  }
0x7c: {  	_ =	shalt  }
0x7d: {  	_ =	shalt  }
0x7e: {  	_ =	shalt  }
0x7f: {  	_ =	shalt  }
0x80: {  	_ =	shalt  }
0x81: {  	_ =	shalt  }
0x82: {  	_ =	shalt  }
0x83: {  	_ =	shalt  }
0x84: {  	_ =	shalt  }
0x85: {  	_ =	shalt  }
0x86: {  	_ =	shalt  }
0x87: {  	_ =	shalt  }
.Lfunc_end0:
.L_simem_size_0:
called_computation_lowered:
.L_overlay_start_0:
0x88: {  	s2 =	sld [smem:$0x3FD9]  }
0x89: {  	s3 =	sld [smem:$0x3FFE];
	_ =	sdelay $0x1  }
0x8a: {  	s1 =	srdreg.scid  }
0x8b: {  	s0 =	sand.u32 $0x1, s1  }
0x8c: {  	s15 =	sshll.u32 s0, $0xA;
	s2 =	sadd.s32 s3, s2  }
0x8d: {  	s2 =	sadd.s32 s2, s15  }
0x8e: {  	[smem:$0x3FAA] =	sst s2  }
0x8f: {  	_ = 	snop  }
0x90: {  	s2 =	sld [smem:$0x3FD0];
	_ =	sdelay $0x2  }
0x91: {  	s4 =	simm.s32 $0xA;
	s5 =	simm.s32 $0x10;
	s16 =	sld [smem:$0x3FBE]  }
0x92: {  	[smem:s5], [sflag:s4] =	dma.local [hbm:s2], $0x1  }
0x93: {  	_ =	swait.eq [sflag:s4], $0x1  }
0x94: {  	[sflag:s4] =	ssyncset.done $0x0  }
0x95: {  	s17 =	sld [smem:$0x11];
	[sflag:s4] =	ssyncadd.s32 $0xFFFFFFFF  }
0x96: {  	s18 =	sld [smem:$0x13];
	(tm) =	ssettm $0x1  }
0x97: {  	s19 =	sld [smem:$0x3FFB];
	_ =	sdelay $0x3  }
0x98: {  	_ =	strace s19  }
0x99: {  	s5 =	sld [smem:$0x3FFC];
	_ =	sdelay $0x3  }
0x9a: {  	_ =	strace s5  }
0x9b: {  	s5 =	sld [smem:$0x3FFD];
	_ =	sdelay $0x3  }
0x9c: {  	_ =	strace s5  }
0x9d: {  	_ =	strace $0x8FFFFFFF  }
0x9e: {  	s20 =	sld [smem:$0x3FDB];
	_ =	sdelay $0x1  }
0x9f: {  	s6 =	simm.s32 $_scs_section_size  }
0xa0: {  	s7 =	simm.s32 $_size__tile_overlayer_lowered;
	s8 =	simm.s32 $_tile_overlayer_lowered  }
0xa1: {  	s23 =	simm.s32 $0x1BFF;
	s22 =	sshll.u32 s8, $0x1;
	s5 =	sadd.s32 s6, s20  }
0xa2: {  	s9 =	simm.s32 $0x0;
	s21 =	sshll.u32 s7, $0x1;
	s7 =	sadd.s32 s22, s5  }
0xa3: {  	[timem:s9], [sflag:s23] =	dma.local [hbm:s7], s21  }
0xa4: {  	_ =	swait.ge [sflag:s23], s21  }
0xa5: {  	s6 =	ssub.s32 $0x0, s21;
	[sflag:s23] =	ssyncset.done $0x0  }
0xa6: {  	[sflag:s23] =	ssyncadd.s32 s6;
	_ =	sdelay $0x1  }
0xa7: {  	s24 =	simm.s32 $0x1B8B  }
0xa8: {  	_ =	swait.ge [sflag:s24], $0x1  }
0xa9: {  	[sflag:s24] =	ssyncset.done $0x0  }
0xaa: {  	s25 =	simm.s32 $0x1B8E;
	[sflag:s24] =	ssyncadd.s32 $0xFFFFFFFF  }
0xab: {  	s26 =	simm.s32 $execute0_lowered;
	[smem:$0x3FD2] =	sst s25  }
0xac: {  	s6 =	sshll.u32 s26, $0x1;
	_ =	strace $0x80000046;
	[dreg:$0x1] =	wrdreg $0xFFFFFFFF  }
0xad: {  	s28 =	simm.s32 $_size_execute0_lowered;
	s5 =	sadd.s32 s5, s6;
	[dreg:$0x0] =	wrdreg $0x0  }
0xae: {  	s6 =	sshll.u32 s28, $0x1;
	[dreg:$0x2] =	wrdreg s5  }
0xaf: {  	[dreg:$0x3] =	wrdreg s6  }
0xb0: {  	[dreg:$0x4] =	wrdreg $0xC0  }
0xb1: {  	_ =	task [dreg:s9], $0x5FFFF  }
0xb2: {  	[dreg:$0x1] =	wrdreg $0xFFFFFFFF  }
0xb3: {  	[dreg:$0x0] =	wrdreg $0x60  }
0xb4: {  	[dreg:$0x2] =	wrdreg s16  }
0xb5: {  	[dreg:$0x3] =	wrdreg s17  }
0xb6: {  	[dreg:$0x4] =	wrdreg s18  }
0xb7: {  	[dreg:$0x5] =	wrdreg $0x84000  }
0xb8: {  	[dreg:$0x6] =	wrdreg $0x9  }
0xb9: {  	_ =	task.clear_ibuf [dreg:s9], $0x7FFFF;
	_ =	strace $0x90000046  }
0xba: {  	s29 =	simm.s32 $0x9;
	_ =	strace $0x80000048  }
0xbb: {  	_ =	swait.ge [sflag:s29], $0x1  }
0xbc: {  	[sflag:s29] =	ssyncadd.s32 $0xFFFFFFFF  }
0xbd: {  	_ =	strace $0x90000048  }
0xbe: {  	_ =	sfence  }
0xbf: {  	s30 =	sld [smem:$0x0];
	_ =	sdelay $0x2  }
0xc0: {  	s31 =	sshll.u32 s1, $0xD;
	s1 =	sshrl.u32 s1, $0x2  }
0xc1: {  	s3 =	sand.u32 $0x4000, s31;
	s1 =	sadd.s32 s1, s30  }
0xc2: {  	s0 =	sor.u32 s3, s0;
	s1 =	sshll.u32 s1, $0x11  }
0xc3: {  	s0 =	sor.u32 s1, s0  }
0xc4: {  	s0 =	sadd.s32 $0x8F2B, s0  }
0xc5: {  	[sflag:s0] =	ssyncadd.remote.s32 $0x1  }
0xc6: {  	_ =	sfence.sel $0xFFFF  }
0xc7: {  	[dreg:$0x0] =	wrdreg $0xFFFFFFFF;
	(pc) =	sbr.abs _section_cstart, $3  }
0xc8: {  	[dreg:$0x1] =	wrdreg $0xFFFFFFFF  }
0xc9: {  	_ =	task.clear_ibuf [dreg:s9], $0x2FFFF;
	_ =	strace $0x9FFFFFFF  }
0xca: {  	(tm) =	ssettm $0x7FFFFFFF  }
0xcb: {  	_ =	shalt  }
tec
execute0_lowered:
.L_overlay_start_1:
0x0: {  	(tag) =	ssettag $0x1  }
0x1: {  	s4 =	rddreg [dreg:$0x0]  }
0x2: {  	s8 =	rddreg [dreg:$0x1]  }
0x3: {  	s13 =	rddreg [dreg:$0x2]  }
0x4: {  	s2 =	rddreg [dreg:$0x3];
	s3 =	simm.s32 $0x0;
	s5 =	srdreg.scid  }
0x5: {  	s1 =	stileid.u32;
	[smem:$0x7FF] =	sst s3  }
0x6: {  	s30 =	sand.u32 $0x1, s5;
	s9 =	sshll.u32 s1, $0xB;
	s25 =	sshll.u32 s1, $0xD  }
0x7: {  	s6 =	sshll.u32 s1, $0xA;
	s26 =	sshll.u32 s1, $0x6;
	_ =	strace $0x80000047  }
0x8: {  	s10 =	sshll.u32 s30, $0xA;
	s7 =	sadd.s32 s25, s2;
	s4 =	sadd.s32 s4, s6  }
0x9: {  	s5 =	sor.u32 $0x1C05, s26;
	s6 =	sshrl.u32 s7, $0x3;
	s7 =	simm.s32 $0x5  }
0xa: {  	[spmem:s6], [sflag:s5] =	dma.local [hbm:s4], $0x400  }
0xb: {  	s12 =	sor.u32 s10, s9;
	_ =	swait.ge [sflag:s7], $0x400  }
0xc: {  	s9 =	sshrl.u32 s12, $0x3;
	[sflag:s7] =	ssyncset.done $0x0  }
0xd: {  	s8 =	sadd.s32 s8, s9;
	[sflag:s7] =	ssyncadd.s32 $0xFFFFFC00  }
0xe: {  	[tilespmem:s3], [sflag:$0x5] =	stream.linear.gather [hbm4b:s8+s3], $0x400, $0x38;
	[tilespmem:$0xA400] =	vst v63  }
0xf: {  	_ =	swait.ge [sflag:s7], $0x400  }
0x10: {  	[sflag:s7] =	ssyncset.done $0x0  }
0x11: {  	s11 =	simm.s32 $0x1;
	[sflag:s7] =	ssyncadd.s32 $0xFFFFFC00  }
0x12: {  	s10 =	simm.s32 $0x400;
	s9 =	simm.s32 $0x80;
	[bflag:$0x0] =	sbarrier.arrive $0xFFFF  }
0x13: {  	[tilespmem:s10], [sflag:$0x1] =	stream.indirect.gather [spmem:s2], $0x80, s3, s9, $0xb8;
	[tilespmem:$0xA400] =	vst v63  }
0x14: {  	_ =	swait.ge [sflag:s11], $0x4000  }
0x15: {  	[sflag:s11] =	ssyncset.done $0x0  }
0x16: {  	s14 =	sshll.u32 s12, $0x4;
	s12 =	simm.s32 $0x4400;
	[sflag:s11] =	ssyncadd.s32 $0xFFFFC000  }
0x17: {  	[tilespmem:s12], [sflag:$0x2] =	stream.indirect.gather [spmem:s2], $0x80, s9, s9, $0xb8;
	[tilespmem:$0xA400] =	vst v63  }
0x18: {  	s13 =	sadd.s32 s13, s14;
	s14 =	simm.s32 $0x2  }
0x19: {  	[hbm4b:s13+s3] =	stream.linear.scatter [tilespmem:s10], [sflag:$0x3], $0x4000, $0x38;
	[tilespmem:$0xA400] =	vst v63  }
0x1a: {  	_ =	swait.ge [sflag:s14], $0x4000  }
0x1b: {  	[sflag:s14] =	ssyncset.done $0x0  }
0x1c: {  	s15 =	simm.s32 $0x3;
	[sflag:s14] =	ssyncadd.s32 $0xFFFFC000  }
0x1d: {  	_ =	swait.ge [sflag:s15], $0x4000  }
0x1e: {  	[sflag:s15] =	ssyncset.done $0x0  }
0x1f: {  	s16 =	simm.s32 $0x100;
	[sflag:s15] =	ssyncadd.s32 $0xFFFFC000  }
0x20: {  	[tilespmem:s10], [sflag:$0x1] =	stream.indirect.gather [spmem:s2], $0x80, s16, s9, $0xb8;
	[tilespmem:$0xA400] =	vst v63  }
0x21: {  	s17 =	sadd.s32 $0x800, s13  }
0x22: {  	[hbm4b:s17+s3] =	stream.linear.scatter [tilespmem:s12], [sflag:$0x4], $0x4000, $0x38;
	[tilespmem:$0xA400] =	vst v63  }
0x23: {  	_ =	swait.ge [sflag:s11], $0x4000  }
0x24: {  	[sflag:s11] =	ssyncset.done $0x0  }
0x25: {  	s18 =	simm.s32 $0x4;
	[sflag:s11] =	ssyncadd.s32 $0xFFFFC000  }
0x26: {  	_ =	swait.ge [sflag:s18], $0x4000  }
0x27: {  	[sflag:s18] =	ssyncset.done $0x0  }
0x28: {  	s19 =	simm.s32 $0x180;
	[sflag:s18] =	ssyncadd.s32 $0xFFFFC000  }
0x29: {  	[tilespmem:s12], [sflag:$0x2] =	stream.indirect.gather [spmem:s2], $0x80, s19, s9, $0xb8;
	[tilespmem:$0xA400] =	vst v63  }
0x2a: {  	s20 =	sadd.s32 $0x1000, s13  }
0x2b: {  	[hbm4b:s20+s3] =	stream.linear.scatter [tilespmem:s10], [sflag:$0x3], $0x4000, $0x38;
	[tilespmem:$0xA400] =	vst v63  }
0x2c: {  	_ =	swait.ge [sflag:s14], $0x4000  }
0x2d: {  	[sflag:s14] =	ssyncset.done $0x0  }
0x2e: {  	[sflag:s14] =	ssyncadd.s32 $0xFFFFC000  }
0x2f: {  	_ =	swait.ge [sflag:s15], $0x4000  }
0x30: {  	[sflag:s15] =	ssyncset.done $0x0  }
0x31: {  	s21 =	simm.s32 $0x200;
	[sflag:s15] =	ssyncadd.s32 $0xFFFFC000  }
0x32: {  	[tilespmem:s10], [sflag:$0x1] =	stream.indirect.gather [spmem:s2], $0x80, s21, s9, $0xb8;
	[tilespmem:$0xA400] =	vst v63  }
0x33: {  	s22 =	sadd.s32 $0x1800, s13  }
0x34: {  	[hbm4b:s22+s3] =	stream.linear.scatter [tilespmem:s12], [sflag:$0x4], $0x4000, $0x38;
	[tilespmem:$0xA400] =	vst v63  }
0x35: {  	_ =	swait.ge [sflag:s11], $0x4000  }
0x36: {  	[sflag:s11] =	ssyncset.done $0x0  }
0x37: {  	[sflag:s11] =	ssyncadd.s32 $0xFFFFC000  }
0x38: {  	_ =	swait.ge [sflag:s18], $0x4000  }
0x39: {  	[sflag:s18] =	ssyncset.done $0x0  }
0x3a: {  	s23 =	simm.s32 $0x280;
	[sflag:s18] =	ssyncadd.s32 $0xFFFFC000  }
0x3b: {  	[tilespmem:s12], [sflag:$0x2] =	stream.indirect.gather [spmem:s2], $0x80, s23, s9, $0xb8;
	[tilespmem:$0xA400] =	vst v63  }
0x3c: {  	s24 =	sadd.s32 $0x2000, s13  }
0x3d: {  	[hbm4b:s24+s3] =	stream.linear.scatter [tilespmem:s10], [sflag:$0x3], $0x4000, $0x38;
	[tilespmem:$0xA400] =	vst v63  }
0x3e: {  	_ =	swait.ge [sflag:s14], $0x4000  }
0x3f: {  	[sflag:s14] =	ssyncset.done $0x0  }
0x40: {  	[sflag:s14] =	ssyncadd.s32 $0xFFFFC000  }
0x41: {  	_ =	swait.ge [sflag:s15], $0x4000  }
0x42: {  	[sflag:s15] =	ssyncset.done $0x0  }
0x43: {  	s25 =	simm.s32 $0x300;
	[sflag:s15] =	ssyncadd.s32 $0xFFFFC000  }
0x44: {  	[tilespmem:s10], [sflag:$0x1] =	stream.indirect.gather [spmem:s2], $0x80, s25, s9, $0xb8;
	[tilespmem:$0xA400] =	vst v63  }
0x45: {  	s26 =	sadd.s32 $0x2800, s13  }
0x46: {  	[hbm4b:s26+s3] =	stream.linear.scatter [tilespmem:s12], [sflag:$0x4], $0x4000, $0x38;
	[tilespmem:$0xA400] =	vst v63  }
0x47: {  	_ =	swait.ge [sflag:s11], $0x4000  }
0x48: {  	[sflag:s11] =	ssyncset.done $0x0  }
0x49: {  	[sflag:s11] =	ssyncadd.s32 $0xFFFFC000  }
0x4a: {  	_ =	swait.ge [sflag:s18], $0x4000  }
0x4b: {  	[sflag:s18] =	ssyncset.done $0x0  }
0x4c: {  	s28 =	simm.s32 $0x380;
	s31 =	ssub.s32 $0x2, s30;
	[sflag:s18] =	ssyncadd.s32 $0xFFFFC000  }
0x4d: {  	[tilespmem:s12], [sflag:$0x2] =	stream.indirect.gather [spmem:s2], $0x80, s28, s9, $0xb8;
	[tilespmem:$0xA400] =	vst v63  }
0x4e: {  	s0 =	sshrl.u32 s31, $0x1;
	s29 =	sadd.s32 $0x3000, s13  }
0x4f: {  	[hbm4b:s29+s3] =	stream.linear.scatter [tilespmem:s10], [sflag:$0x3], $0x4000, $0x38;
	[tilespmem:$0xA400] =	vst v63  }
0x50: {  	s0 =	ssub.s32 s31, s0;
	_ =	swait.ge [sflag:s14], $0x4000  }
0x51: {  	s0 =	smax.u32 s0, $0x1;
	[sflag:s14] =	ssyncset.done $0x0  }
0x52: {  	s30 =	sadd.s32 $0x3800, s13;
	p0 =	sne.s32 s0, $0x1;
	[sflag:s14] =	ssyncadd.s32 $0xFFFFC000  }
0x53: {  	[hbm4b:s30+s3] =	stream.linear.scatter [tilespmem:s12], [sflag:$0x4], $0x4000, $0x38;
	[tilespmem:$0xA400] =	vst v63  }
.Ltmp0:
0x54: {  	_ =	swait.ge [sflag:s15], $0x4000;
	(pc) =	sbr.rel @!p0 .LBB2_2-.Ltmp0, $4  }
0x55: {  	[sflag:s15] =	ssyncset.done $0x0  }
0x56: {  	[sflag:s15] =	ssyncadd.s32 $0xFFFFC000  }
0x57: {  	_ =	swait.ge [sflag:s18], $0x4000  }
0x58: {  	s31 =	sadd.s32 $0xFFFFFFFF, s0;
	[sflag:s18] =	ssyncset.done $0x0  }
.LBB2_1:
0x59: {  	p0 =	sne.s32 s31, $0x1;
	s31 =	sadd.s32 $0xFFFFFFFF, s31;
	[sflag:s18] =	ssyncadd.s32 $0xFFFFC000  }
0x5a: {  	[spmem:s6], [sflag:s5] =	dma.local [hbm:s4], $0x400  }
0x5b: {  	_ =	swait.ge [sflag:s7], $0x400  }
0x5c: {  	[sflag:s7] =	ssyncset.done $0x0  }
0x5d: {  	[sflag:s7] =	ssyncadd.s32 $0xFFFFFC00  }
0x5e: {  	[tilespmem:s3], [sflag:$0x5] =	stream.linear.gather [hbm4b:s8+s3], $0x400, $0x38;
	[tilespmem:$0xA400] =	vst v63  }
0x5f: {  	_ =	swait.ge [sflag:s7], $0x400  }
0x60: {  	[sflag:s7] =	ssyncset.done $0x0  }
0x61: {  	[sflag:s7] =	ssyncadd.s32 $0xFFFFFC00  }
0x62: {  	[bflag:$0x0] =	sbarrier.arrive $0xFFFF  }
0x63: {  	[tilespmem:s10], [sflag:$0x1] =	stream.indirect.gather [spmem:s2], $0x80, s3, s9, $0xb8;
	[tilespmem:$0xA400] =	vst v63  }
0x64: {  	_ =	swait.ge [sflag:s11], $0x4000  }
0x65: {  	[sflag:s11] =	ssyncset.done $0x0  }
0x66: {  	[sflag:s11] =	ssyncadd.s32 $0xFFFFC000  }
0x67: {  	[tilespmem:s12], [sflag:$0x2] =	stream.indirect.gather [spmem:s2], $0x80, s9, s9, $0xb8;
	[tilespmem:$0xA400] =	vst v63  }
0x68: {  	_ = 	snop  }
0x69: {  	[hbm4b:s13+s3] =	stream.linear.scatter [tilespmem:s10], [sflag:$0x3], $0x4000, $0x38;
	[tilespmem:$0xA400] =	vst v63  }
0x6a: {  	_ =	swait.ge [sflag:s14], $0x4000  }
0x6b: {  	[sflag:s14] =	ssyncset.done $0x0  }
0x6c: {  	[sflag:s14] =	ssyncadd.s32 $0xFFFFC000  }
0x6d: {  	_ =	swait.ge [sflag:s15], $0x4000  }
0x6e: {  	[sflag:s15] =	ssyncset.done $0x0  }
0x6f: {  	[sflag:s15] =	ssyncadd.s32 $0xFFFFC000  }
0x70: {  	[tilespmem:s10], [sflag:$0x1] =	stream.indirect.gather [spmem:s2], $0x80, s16, s9, $0xb8;
	[tilespmem:$0xA400] =	vst v63  }
0x71: {  	_ = 	snop  }
0x72: {  	[hbm4b:s17+s3] =	stream.linear.scatter [tilespmem:s12], [sflag:$0x4], $0x4000, $0x38;
	[tilespmem:$0xA400] =	vst v63  }
0x73: {  	_ =	swait.ge [sflag:s11], $0x4000  }
0x74: {  	[sflag:s11] =	ssyncset.done $0x0  }
0x75: {  	[sflag:s11] =	ssyncadd.s32 $0xFFFFC000  }
0x76: {  	_ =	swait.ge [sflag:s18], $0x4000  }
0x77: {  	[sflag:s18] =	ssyncset.done $0x0  }
0x78: {  	[sflag:s18] =	ssyncadd.s32 $0xFFFFC000  }
0x79: {  	[tilespmem:s12], [sflag:$0x2] =	stream.indirect.gather [spmem:s2], $0x80, s19, s9, $0xb8;
	[tilespmem:$0xA400] =	vst v63  }
0x7a: {  	_ = 	snop  }
0x7b: {  	[hbm4b:s20+s3] =	stream.linear.scatter [tilespmem:s10], [sflag:$0x3], $0x4000, $0x38;
	[tilespmem:$0xA400] =	vst v63  }
0x7c: {  	_ =	swait.ge [sflag:s14], $0x4000  }
0x7d: {  	[sflag:s14] =	ssyncset.done $0x0  }
0x7e: {  	[sflag:s14] =	ssyncadd.s32 $0xFFFFC000  }
0x7f: {  	_ =	swait.ge [sflag:s15], $0x4000  }
0x80: {  	[sflag:s15] =	ssyncset.done $0x0  }
0x81: {  	[sflag:s15] =	ssyncadd.s32 $0xFFFFC000  }
0x82: {  	[tilespmem:s10], [sflag:$0x1] =	stream.indirect.gather [spmem:s2], $0x80, s21, s9, $0xb8;
	[tilespmem:$0xA400] =	vst v63  }
0x83: {  	_ = 	snop  }
0x84: {  	[hbm4b:s22+s3] =	stream.linear.scatter [tilespmem:s12], [sflag:$0x4], $0x4000, $0x38;
	[tilespmem:$0xA400] =	vst v63  }
0x85: {  	_ =	swait.ge [sflag:s11], $0x4000  }
0x86: {  	[sflag:s11] =	ssyncset.done $0x0  }
0x87: {  	[sflag:s11] =	ssyncadd.s32 $0xFFFFC000  }
0x88: {  	_ =	swait.ge [sflag:s18], $0x4000  }
0x89: {  	[sflag:s18] =	ssyncset.done $0x0  }
0x8a: {  	[sflag:s18] =	ssyncadd.s32 $0xFFFFC000  }
0x8b: {  	[tilespmem:s12], [sflag:$0x2] =	stream.indirect.gather [spmem:s2], $0x80, s23, s9, $0xb8;
	[tilespmem:$0xA400] =	vst v63  }
0x8c: {  	_ = 	snop  }
0x8d: {  	[hbm4b:s24+s3] =	stream.linear.scatter [tilespmem:s10], [sflag:$0x3], $0x4000, $0x38;
	[tilespmem:$0xA400] =	vst v63  }
0x8e: {  	_ =	swait.ge [sflag:s14], $0x4000  }
0x8f: {  	[sflag:s14] =	ssyncset.done $0x0  }
0x90: {  	[sflag:s14] =	ssyncadd.s32 $0xFFFFC000  }
0x91: {  	_ =	swait.ge [sflag:s15], $0x4000  }
0x92: {  	[sflag:s15] =	ssyncset.done $0x0  }
0x93: {  	[sflag:s15] =	ssyncadd.s32 $0xFFFFC000  }
0x94: {  	[tilespmem:s10], [sflag:$0x1] =	stream.indirect.gather [spmem:s2], $0x80, s25, s9, $0xb8;
	[tilespmem:$0xA400] =	vst v63  }
0x95: {  	_ = 	snop  }
0x96: {  	[hbm4b:s26+s3] =	stream.linear.scatter [tilespmem:s12], [sflag:$0x4], $0x4000, $0x38;
	[tilespmem:$0xA400] =	vst v63  }
0x97: {  	_ =	swait.ge [sflag:s11], $0x4000  }
0x98: {  	[sflag:s11] =	ssyncset.done $0x0  }
0x99: {  	[sflag:s11] =	ssyncadd.s32 $0xFFFFC000  }
0x9a: {  	_ =	swait.ge [sflag:s18], $0x4000  }
0x9b: {  	[sflag:s18] =	ssyncset.done $0x0  }
0x9c: {  	[sflag:s18] =	ssyncadd.s32 $0xFFFFC000  }
0x9d: {  	[tilespmem:s12], [sflag:$0x2] =	stream.indirect.gather [spmem:s2], $0x80, s28, s9, $0xb8;
	[tilespmem:$0xA400] =	vst v63  }
0x9e: {  	_ = 	snop  }
0x9f: {  	[hbm4b:s29+s3] =	stream.linear.scatter [tilespmem:s10], [sflag:$0x3], $0x4000, $0x38;
	[tilespmem:$0xA400] =	vst v63  }
0xa0: {  	_ =	swait.ge [sflag:s14], $0x4000  }
0xa1: {  	[sflag:s14] =	ssyncset.done $0x0  }
0xa2: {  	[sflag:s14] =	ssyncadd.s32 $0xFFFFC000  }
0xa3: {  	[hbm4b:s30+s3] =	stream.linear.scatter [tilespmem:s12], [sflag:$0x4], $0x4000, $0x38;
	[tilespmem:$0xA400] =	vst v63  }
.Ltmp1:
0xa4: {  	_ =	swait.ge [sflag:s15], $0x4000;
	(pc) =	sbr.rel @p0 .LBB2_1-.Ltmp1, $4  }
0xa5: {  	[sflag:s15] =	ssyncset.done $0x0  }
0xa6: {  	[sflag:s15] =	ssyncadd.s32 $0xFFFFC000  }
0xa7: {  	_ =	swait.ge [sflag:s18], $0x4000  }
0xa8: {  	[sflag:s18] =	ssyncset.done $0x0  }
.LBB2_2:
0xa9: {  	[sflag:s18] =	ssyncadd.s32 $0xFFFFC000  }
0xaa: {  	_ =	sfence.sel $0x180000  }
0xab: {  	[bflag:$0x0] =	sbarrier.arrive $0xFFFF  }
0xac: {  	_ =	strace $0x90000047  }
0xad: {  	[bflag:$0x2] =	sbarrier.arrive $0xFFFF  }
0xae: {  	p0 =	sne.s32 s1, $0x0;
	s0 =	rddreg [dreg:$0x4]  }
0xaf: {  	s0 =	sadd.s32 @!p0 $0x100000, s0  }
0xb0: {  	[sflag:s0] =	ssyncadd.tile.s32 @!p0 $0x1;
	_ =	shalt  }
.Lfunc_end2:
_tile_overlayer_lowered:
.L_overlay_start_2:
0xb1: {  	(tag) =	ssettag $0x2  }
0xb2: {  	s0 =	rddreg [dreg:$0x0];
	s2 =	stileid.u32  }
0xb3: {  	s1 =	rddreg [dreg:$0x1];
	p0 =	sne.s32 s2, $0x0  }
0xb4: {  	s3 =	rddreg [dreg:$0x2];
	[bflag:$0x3] =	sbarrier.arrive $0xFFFF;
	s2 =	simm.s32 @!p0 $0x1C05  }
0xb5: {  	[timem:s3], [sflag:s2] =	dma.local @!p0 [hbm:s0], s1  }
0xb6: {  	s0 =	simm.s32 @!p0 $0x5  }
0xb7: {  	_ =	swait.ge @!p0 [sflag:s0], s1  }
0xb8: {  	s1 =	ssub.s32 @!p0 $0x0, s1;
	[sflag:s0] =	ssyncset.done @!p0 $0x0  }
0xb9: {  	[sflag:s0] =	ssyncadd.s32 @!p0 s1  }
0xba: {  	[bflag:$0x3] =	sbarrier.arrive $0xFFFF  }
0xbb: {  	_ =	shalt  }

</sc_bundles>
